<compile_context>
chip_gen: v7x
topology: tpu7x:2x2x1
jax: 0.10.2.dev20260603
libtpu: 0.0.44.dev20260713+nightly
codegen_flags: <defaults>
</compile_context>

<pallas_src>
import functools

import jax
import jax.numpy as jnp
from jax import lax
from jax.experimental import pallas as pl
from jax.experimental.pallas import tpu as pltpu
from jax.experimental.pallas import tpu_sc as plsc

N = 10000
NP = 10240
D = 128
E = 320000
NC, NS = 2, 16
NW = NC * NS
E_W = E // NW
K = 80
NBLK = E_W // K
KD = 128
NBLKD = 80
NSLOT = 4
EP = NW * NBLKD * KD
RPT = NP // NS

_MESH = plsc.VectorSubcoreMesh(core_axis_name="c", subcore_axis_name="s")



def _deg_body(rows_hbm, cols_hbm, ones_hbm, zeros_hbm, out_hbm,
              dr_sh, dc_sh, idx_v, ones_v):
    c = lax.axis_index("c")
    s = lax.axis_index("s")
    wid = s * NC + c
    sl = pl.ds(s * RPT, RPT)
    pltpu.sync_copy(ones_hbm, ones_v)
    pltpu.sync_copy(zeros_hbm, dr_sh.at[sl])
    pltpu.sync_copy(zeros_hbm, dc_sh.at[sl])
    plsc.subcore_barrier()
    base = wid * E_W

    @pl.loop(0, NBLK)
    def _(j):
        off = base + j * K
        pltpu.sync_copy(rows_hbm.at[pl.ds(off, K)], idx_v)
        pltpu.sync_copy(ones_v, dr_sh.at[idx_v], add=True)
        pltpu.sync_copy(cols_hbm.at[pl.ds(off, K)], idx_v)
        pltpu.sync_copy(ones_v, dc_sh.at[idx_v], add=True)

    plsc.subcore_barrier()
    pltpu.sync_copy(dr_sh.at[sl], out_hbm.at[c, 0, sl])
    pltpu.sync_copy(dc_sh.at[sl], out_hbm.at[c, 1, sl])


def _sc_degrees(rows, cols):
    ones = jnp.ones((K, 16), jnp.float32)
    zeros = jnp.zeros((RPT, 16), jnp.float32)
    f = pl.kernel(
        _deg_body,
        out_type=jax.ShapeDtypeStruct((NC, 2, NP, 16), jnp.float32),
        mesh=_MESH,
        scratch_types=[
            pltpu.VMEM_SHARED((NP, 16), jnp.float32),
            pltpu.VMEM_SHARED((NP, 16), jnp.float32),
            pltpu.VMEM((K,), jnp.int32),
            pltpu.VMEM((K, 16), jnp.float32),
        ],
    )
    o = f(rows, cols, ones, zeros)
    return (o[0, 0, :N, 0] + o[1, 0, :N, 0],
            o[0, 1, :N, 0] + o[1, 1, :N, 0])



def _spmm_body(g_hbm, rows_hbm, cols_hbm, out_hbm, acc_sh, idx_r, idx_c, buf):
    c = lax.axis_index("c")
    s = lax.axis_index("s")
    wid = s * NC + c
    sl = pl.ds(s * RPT, RPT)
    base = wid * E_W

    pltpu.sync_copy(g_hbm.at[sl], acc_sh.at[sl])
    plsc.subcore_barrier()

    @pl.loop(0, NBLK)
    def _(j):
        off = base + j * K
        pltpu.sync_copy(cols_hbm.at[pl.ds(off, K)], idx_c)
        pltpu.sync_copy(rows_hbm.at[pl.ds(off, K)], idx_r)
        pltpu.sync_copy(g_hbm.at[idx_c], buf)
        pltpu.sync_copy(buf, acc_sh.at[idx_r], add=True)

    plsc.subcore_barrier()
    pltpu.sync_copy(acc_sh.at[sl], out_hbm.at[c, sl])


def _sc_spmm(f, g, rows, cols):
    gp = jnp.zeros((NP, D), jnp.float32).at[:N].set(g)
    o = f(gp, rows, cols)
    return o[0, :N] + o[1, :N]


def _make_spmm():
    return pl.kernel(
        _spmm_body,
        out_type=jax.ShapeDtypeStruct((NC, NP, D), jnp.float32),
        mesh=_MESH,
        scratch_types=[
            pltpu.VMEM_SHARED((NP, D), jnp.float32),
            pltpu.VMEM((K,), jnp.int32),
            pltpu.VMEM((K,), jnp.int32),
            pltpu.VMEM((K, D), jnp.float32),
        ],
    )



ROW_BLK = 1000


def _mlp_body(x_ref, h1_ref, h2_ref, W0_ref, b0_ref, W1_ref, b1_ref,
              W2_ref, b2_ref, Wr_ref, br_ref, o_ref):
    n0 = jnp.maximum(jnp.dot(x_ref[...], W0_ref[...],
                             preferred_element_type=jnp.float32) + b0_ref[...], 0.0)
    n1 = jnp.maximum(jnp.dot(h1_ref[...], W1_ref[...],
                             preferred_element_type=jnp.float32) + b1_ref[...], 0.0)
    n2 = jnp.maximum(jnp.dot(h2_ref[...], W2_ref[...],
                             preferred_element_type=jnp.float32) + b2_ref[...], 0.0)
    agg = (n0 + n1 + n2) * (1.0 / 3.0)
    o_ref[...] = jnp.maximum(jnp.dot(agg, Wr_ref[...],
                                     preferred_element_type=jnp.float32) + br_ref[...], 0.0)


def _mlp_stage(x, h1, h2, W0, b0, W1, b1, W2, b2, Wr, br):
    row_spec = pl.BlockSpec((ROW_BLK, D), lambda i: (i, 0))
    w_spec = pl.BlockSpec((D, D), lambda i: (0, 0))
    b_spec = pl.BlockSpec((1, D), lambda i: (0, 0))
    return pl.pallas_call(
        _mlp_body,
        grid=(N // ROW_BLK,),
        in_specs=[row_spec, row_spec, row_spec,
                  w_spec, b_spec, w_spec, b_spec, w_spec, b_spec,
                  w_spec, b_spec],
        out_specs=row_spec,
        out_shape=jax.ShapeDtypeStruct((N, D), jnp.float32),
    )(x, h1, h2, W0, b0.reshape(1, D), W1, b1.reshape(1, D),
      W2, b2.reshape(1, D), Wr, br.reshape(1, D))



def kernel(x, edge_index, W0, b0, W1, b1, W2, b2, Wr, br):
    rows = edge_index[0].astype(jnp.int32)
    cols = edge_index[1].astype(jnp.int32)
    ones1 = jnp.ones(E, jnp.float32)
    deg_r = jnp.zeros((N,), jnp.float32).at[rows].add(ones1)
    deg_c = jnp.zeros((N,), jnp.float32).at[cols].add(ones1)
    inv_r = jax.lax.rsqrt(deg_r + 1.0)[:, None]
    inv_c = jax.lax.rsqrt(deg_c + 1.0)[:, None]

    spmm = _make_spmm()
    g0 = x * inv_c
    s0 = _sc_spmm(spmm, g0, rows, cols)
    h1 = (s0 - g0) * inv_r
    g1 = h1 * inv_c
    s1 = _sc_spmm(spmm, g1, rows, cols)
    h2 = (s1 - g1) * inv_r

    return _mlp_stage(x, h1, h2, W0, b0, W1, b1, W2, b2, Wr, br)

# --- scband reference (transcript-rebuilt; emitter-appended) ---
"""Pipeline reference for scband-ignnconv-9010841387608 (READ-ONLY COPY).

The authoritative reference and input builder live on the scoring server;
editing this copy changes nothing except your own understanding.
"""

import jax, jax.numpy as jnp
import numpy as np

N_NODES = 10000
N_EDGES = 320000
D = 128
N_HOPS = 2


def setup_inputs(seed: int = 0) -> dict:
    key = jax.random.key(seed)
    ks = jax.random.split(key, 16)
    x = jax.random.normal(ks[0], (N_NODES, D), dtype=jnp.float32)
    edge_index = jax.random.randint(ks[1], (2, N_EDGES), 0, N_NODES, dtype=jnp.int64)
    inp = {"x": x, "edge_index": edge_index}
    # per-hop MLP weights (nie='gcn-nie-nst': one Linear+ReLU per hop feature, n_hops+1 of them)
    for i in range(N_HOPS + 1):
        inp[f"W{i}"] = jax.random.normal(ks[2 + 2 * i], (D, D), dtype=jnp.float32) * (1.0 / np.sqrt(D))
        inp[f"b{i}"] = jnp.zeros((D,), dtype=jnp.float32)
    # nrl='mean' relation-learning MLP
    inp["Wr"] = jax.random.normal(ks[10], (D, D), dtype=jnp.float32) * (1.0 / np.sqrt(D))
    inp["br"] = jnp.zeros((D,), dtype=jnp.float32)
    return inp


def _gcn_propagate(h, rows, cols, norm, n_nodes):
    # symmetric-normalized SpMM: out[r] += norm * h[c]
    msgs = h[cols] * norm[:, None]
    return jnp.zeros((n_nodes, h.shape[1]), dtype=h.dtype).at[rows].add(msgs)


def reference(x, edge_index, W0, b0, W1, b1, W2, b2, Wr, br):
    n = x.shape[0]
    self_loop = jnp.arange(n, dtype=edge_index.dtype)
    rows = jnp.concatenate([edge_index[0], self_loop])
    cols = jnp.concatenate([edge_index[1], self_loop])
    ones = jnp.ones(rows.shape[0], dtype=jnp.float32)
    deg_r = jnp.zeros((n,), dtype=jnp.float32).at[rows].add(ones)
    deg_c = jnp.zeros((n,), dtype=jnp.float32).at[cols].add(ones)
    inv_r = jnp.where(deg_r > 0, jax.lax.rsqrt(deg_r), 0.0)
    inv_c = jnp.where(deg_c > 0, jax.lax.rsqrt(deg_c), 0.0)
    norm = inv_r[rows] * inv_c[cols]
    # preprocess_neighborhoods: nei_feats[i] = A_norm^i x, i = 0..n_hops (set_diag=True via self-loops)
    nei_feats = [x]
    h = x
    for _ in range(N_HOPS):
        h = _gcn_propagate(h, rows, cols, norm, n)
        nei_feats.append(h)
    # per-hop independent MLP embeddings (relu, no layer_norm, dropout=0)
    Ws = [W0, W1, W2]
    bs = [b0, b1, b2]
    ns = [jax.nn.relu(nei_feats[i] @ Ws[i] + bs[i]) for i in range(N_HOPS + 1)]
    # nrl='mean': mean over hop embeddings then MLP
    agg = jnp.mean(jnp.stack(ns, axis=0), axis=0)
    out = jax.nn.relu(agg @ Wr + br)
    return out

if __name__ == "__main__":
    import jax
    _d = setup_inputs()
    print(jax.jit(kernel)(*tuple(_d.values())))

</pallas_src>

<mosaic_0001>
#map = affine_map<(d0, d1) -> (0, 0)>
#map1 = affine_map<(d0, d1) -> (0)>
#map2 = affine_map<(d0, d1) -> (0, 0, 0)>
module attributes {stable_mosaic.version = 14 : i64} {
  func.func @_spmm_body(%arg0: i32, %arg1: i32, %arg2: memref<10240x128xf32, #tpu.memory_space<hbm>>, %arg3: memref<320000xi32, #tpu.memory_space<hbm>>, %arg4: memref<320000xi32, #tpu.memory_space<hbm>>, %arg5: memref<2x10240x128xf32, #tpu.memory_space<hbm>>, %arg6: memref<10240x128xf32, #tpu.memory_space<vmem_shared>>, %arg7: memref<80xi32, #tpu.memory_space<vmem>>, %arg8: memref<80xi32, #tpu.memory_space<vmem>>, %arg9: memref<80x128xf32, #tpu.memory_space<vmem>>) attributes {dimension_semantics = [#tpu.dimension_semantics<core_parallel>, #tpu.dimension_semantics<subcore_parallel>], iteration_bounds = array<i64: 2, 16>, scalar_prefetch = 0 : i64, scratch_operands = 4 : i64, tpu.core_type = #tpu.core_type<sc_vector_subcore>, window_params = [{transform_indices = #map}, {transform_indices = #map1}, {transform_indices = #map1}, {transform_indices = #map2}]} {
    %mul3A = arith.constant 2 : i32
    %mul3A_0 = arith.muli %arg1, %mul3A : i32
    %add3A = arith.addi %mul3A_0, %arg0 : i32
    %mul3A_1 = arith.constant 640 : i32
    %mul3A_2 = arith.muli %arg1, %mul3A_1 : i32
    %mul3A_3 = arith.constant 10000 : i32
    %mul3A_4 = arith.muli %add3A, %mul3A_3 : i32
    "tpu.region"() ({
      %run_scoped3A = tpu.sem_alloc : memref<!tpu.dma_semaphore, #tpu.memory_space<semaphore_mem>>
      %dma_start3A = arith.constant 0 : i32
      %dma_start3A_10 = tpu.memref_slice %arg6[%mul3A_2, %dma_start3A] : memref<10240x128xf32, #tpu.memory_space<vmem_shared>> -> memref<640x128xf32, #tpu.memory_space<vmem_shared>>
      %dma_start3A_11 = arith.constant 0 : i32
      %dma_start3A_12 = tpu.memref_slice %arg2[%mul3A_2, %dma_start3A_11] : memref<10240x128xf32, #tpu.memory_space<hbm>> -> memref<640x128xf32, #tpu.memory_space<hbm>>
      tpu.enqueue_dma source(%dma_start3A_12 : memref<640x128xf32, #tpu.memory_space<hbm>>) target(%dma_start3A_10 : memref<640x128xf32, #tpu.memory_space<vmem_shared>>) target_semaphore(%run_scoped3A : memref<!tpu.dma_semaphore, #tpu.memory_space<semaphore_mem>>)
      %dma_wait3A = arith.constant 0 : i32
      %dma_wait3A_13 = tpu.memref_slice %arg6[%mul3A_2, %dma_wait3A] : memref<10240x128xf32, #tpu.memory_space<vmem_shared>> -> memref<640x128xf32, #tpu.memory_space<vmem_shared>>
      %dma_wait3A_14 = arith.constant 0 : i32
      %dma_wait3A_15 = tpu.memref_slice %arg2[%mul3A_2, %dma_wait3A_14] : memref<10240x128xf32, #tpu.memory_space<hbm>> -> memref<640x128xf32, #tpu.memory_space<hbm>>
      tpu.wait_dma2 semaphore(%run_scoped3A : memref<!tpu.dma_semaphore, #tpu.memory_space<semaphore_mem>>) src(%dma_wait3A_15 : memref<640x128xf32, #tpu.memory_space<hbm>>) dst(%dma_wait3A_13 : memref<640x128xf32, #tpu.memory_space<vmem_shared>>)
      tpu.yield
    }) : () -> ()
    %barrier3A = arith.constant 0 : index
    tpu.barrier barrier_id(%barrier3A)
    %scan3A = arith.constant 0 : i32
    %scan3A_5 = arith.constant 125 : i32
    %scan3A_6 = arith.addi %scan3A, %scan3A_5 : i32
    %scan3A_7 = arith.constant 1 : i32
    scf.for %scan3A_10 = %scan3A to %scan3A_6 step %scan3A_7  : i32 {
      %mul3A_11 = arith.constant 1 : i32
      %mul3A_12 = arith.muli %scan3A_10, %mul3A_11 : i32
      %add3A_13 = arith.constant 0 : i32
      %add3A_14 = arith.addi %add3A_13, %mul3A_12 : i32
      %mul3A_15 = arith.constant 80 : i32
      %mul3A_16 = arith.muli %add3A_14, %mul3A_15 : i32
      %add3A_17 = arith.addi %mul3A_4, %mul3A_16 : i32
      "tpu.region"() ({
        %run_scoped3A = tpu.sem_alloc : memref<!tpu.dma_semaphore, #tpu.memory_space<semaphore_mem>>
        %dma_start3A = tpu.memref_slice %arg4[%add3A_17] : memref<320000xi32, #tpu.memory_space<hbm>> -> memref<80xi32, #tpu.memory_space<hbm>>
        %dma_start3A_18 = tpu.memref_slice %arg4[%add3A_17] : memref<320000xi32, #tpu.memory_space<hbm>> -> memref<80xi32, #tpu.memory_space<hbm>>
        tpu.enqueue_dma source(%dma_start3A_18 : memref<80xi32, #tpu.memory_space<hbm>>) target(%arg8 : memref<80xi32, #tpu.memory_space<vmem>>) target_semaphore(%run_scoped3A : memref<!tpu.dma_semaphore, #tpu.memory_space<semaphore_mem>>)
        %dma_wait3A = tpu.memref_slice %arg4[%add3A_17] : memref<320000xi32, #tpu.memory_space<hbm>> -> memref<80xi32, #tpu.memory_space<hbm>>
        %dma_wait3A_19 = tpu.memref_slice %arg4[%add3A_17] : memref<320000xi32, #tpu.memory_space<hbm>> -> memref<80xi32, #tpu.memory_space<hbm>>
        tpu.wait_dma2 semaphore(%run_scoped3A : memref<!tpu.dma_semaphore, #tpu.memory_space<semaphore_mem>>) src(%dma_wait3A_19 : memref<80xi32, #tpu.memory_space<hbm>>) dst(%arg8 : memref<80xi32, #tpu.memory_space<vmem>>)
        tpu.yield
      }) : () -> ()
      "tpu.region"() ({
        %run_scoped3A = tpu.sem_alloc : memref<!tpu.dma_semaphore, #tpu.memory_space<semaphore_mem>>
        %dma_start3A = tpu.memref_slice %arg3[%add3A_17] : memref<320000xi32, #tpu.memory_space<hbm>> -> memref<80xi32, #tpu.memory_space<hbm>>
        %dma_start3A_18 = tpu.memref_slice %arg3[%add3A_17] : memref<320000xi32, #tpu.memory_space<hbm>> -> memref<80xi32, #tpu.memory_space<hbm>>
        tpu.enqueue_dma source(%dma_start3A_18 : memref<80xi32, #tpu.memory_space<hbm>>) target(%arg7 : memref<80xi32, #tpu.memory_space<vmem>>) target_semaphore(%run_scoped3A : memref<!tpu.dma_semaphore, #tpu.memory_space<semaphore_mem>>)
        %dma_wait3A = tpu.memref_slice %arg3[%add3A_17] : memref<320000xi32, #tpu.memory_space<hbm>> -> memref<80xi32, #tpu.memory_space<hbm>>
        %dma_wait3A_19 = tpu.memref_slice %arg3[%add3A_17] : memref<320000xi32, #tpu.memory_space<hbm>> -> memref<80xi32, #tpu.memory_space<hbm>>
        tpu.wait_dma2 semaphore(%run_scoped3A : memref<!tpu.dma_semaphore, #tpu.memory_space<semaphore_mem>>) src(%dma_wait3A_19 : memref<80xi32, #tpu.memory_space<hbm>>) dst(%arg7 : memref<80xi32, #tpu.memory_space<vmem>>)
        tpu.yield
      }) : () -> ()
      "tpu.region"() ({
        %run_scoped3A = tpu.sem_alloc : memref<!tpu.dma_semaphore, #tpu.memory_space<semaphore_mem>>
        %dma_start3A = arith.constant 0 : i32
        %dma_start3A_18 = arith.constant 0 : i32
        %dma_start3A_19 = tpu.memref_slice %arg2[%dma_start3A, %dma_start3A_18] : memref<10240x128xf32, #tpu.memory_space<hbm>> -> memref<10240x128xf32, #tpu.memory_space<hbm>>
        tpu.enqueue_indirect_dma source(%dma_start3A_19 : memref<10240x128xf32, #tpu.memory_space<hbm>>) target(%arg9 : memref<80x128xf32, #tpu.memory_space<vmem>>) offsets(%arg8 : memref<80xi32, #tpu.memory_space<vmem>>) semaphore(%run_scoped3A : memref<!tpu.dma_semaphore, #tpu.memory_space<semaphore_mem>>)
        %dma_wait3A = arith.constant 0 : i32
        %dma_wait3A_20 = arith.constant 0 : i32
        %dma_wait3A_21 = tpu.memref_slice %arg2[%dma_wait3A, %dma_wait3A_20] : memref<10240x128xf32, #tpu.memory_space<hbm>> -> memref<10240x128xf32, #tpu.memory_space<hbm>>
        tpu.wait_indirect_dma semaphore(%run_scoped3A : memref<!tpu.dma_semaphore, #tpu.memory_space<semaphore_mem>>) src(%dma_wait3A_21 : memref<10240x128xf32, #tpu.memory_space<hbm>>) dst(%arg9 : memref<80x128xf32, #tpu.memory_space<vmem>>)
        tpu.yield
      }) : () -> ()
      "tpu.region"() ({
        %run_scoped3A = tpu.sem_alloc : memref<!tpu.dma_semaphore, #tpu.memory_space<semaphore_mem>>
        %dma_start3A = arith.constant 0 : i32
        %dma_start3A_18 = arith.constant 0 : i32
        %dma_start3A_19 = tpu.memref_slice %arg6[%dma_start3A, %dma_start3A_18] : memref<10240x128xf32, #tpu.memory_space<vmem_shared>> -> memref<10240x128xf32, #tpu.memory_space<vmem_shared>>
        tpu.enqueue_indirect_dma source(%arg9 : memref<80x128xf32, #tpu.memory_space<vmem>>) target(%dma_start3A_19 : memref<10240x128xf32, #tpu.memory_space<vmem_shared>>) offsets(%arg7 : memref<80xi32, #tpu.memory_space<vmem>>) semaphore(%run_scoped3A : memref<!tpu.dma_semaphore, #tpu.memory_space<semaphore_mem>>) {add = true}
        %dma_wait3A = arith.constant 0 : i32
        %dma_wait3A_20 = arith.constant 0 : i32
        %dma_wait3A_21 = tpu.memref_slice %arg6[%dma_wait3A, %dma_wait3A_20] : memref<10240x128xf32, #tpu.memory_space<vmem_shared>> -> memref<10240x128xf32, #tpu.memory_space<vmem_shared>>
        tpu.wait_indirect_dma semaphore(%run_scoped3A : memref<!tpu.dma_semaphore, #tpu.memory_space<semaphore_mem>>) src(%arg9 : memref<80x128xf32, #tpu.memory_space<vmem>>) dst(%dma_wait3A_21 : memref<10240x128xf32, #tpu.memory_space<vmem_shared>>)
        tpu.yield
      }) : () -> ()
    }
    %scan3A_8 = arith.constant 125 : i32
    %barrier3A_9 = arith.constant 0 : index
    tpu.barrier barrier_id(%barrier3A_9)
    "tpu.region"() ({
      %run_scoped3A = tpu.sem_alloc : memref<!tpu.dma_semaphore, #tpu.memory_space<semaphore_mem>>
      %dma_start3A = arith.constant 0 : i32
      %dma_start3A_10 = tpu.memref_slice %arg5[%arg0, %mul3A_2, %dma_start3A] : memref<2x10240x128xf32, #tpu.memory_space<hbm>> -> memref<1x640x128xf32, #tpu.memory_space<hbm>>
      %dma_start3A_11 = tpu.memref_squeeze %dma_start3A_10 : memref<1x640x128xf32, #tpu.memory_space<hbm>> -> memref<640x128xf32, #tpu.memory_space<hbm>>
      %dma_start3A_12 = arith.constant 0 : i32
      %dma_start3A_13 = tpu.memref_slice %arg6[%mul3A_2, %dma_start3A_12] : memref<10240x128xf32, #tpu.memory_space<vmem_shared>> -> memref<640x128xf32, #tpu.memory_space<vmem_shared>>
      tpu.enqueue_dma source(%dma_start3A_13 : memref<640x128xf32, #tpu.memory_space<vmem_shared>>) target(%dma_start3A_11 : memref<640x128xf32, #tpu.memory_space<hbm>>) target_semaphore(%run_scoped3A : memref<!tpu.dma_semaphore, #tpu.memory_space<semaphore_mem>>)
      %dma_wait3A = arith.constant 0 : i32
      %dma_wait3A_14 = tpu.memref_slice %arg5[%arg0, %mul3A_2, %dma_wait3A] : memref<2x10240x128xf32, #tpu.memory_space<hbm>> -> memref<1x640x128xf32, #tpu.memory_space<hbm>>
      %dma_wait3A_15 = tpu.memref_squeeze %dma_wait3A_14 : memref<1x640x128xf32, #tpu.memory_space<hbm>> -> memref<640x128xf32, #tpu.memory_space<hbm>>
      %dma_wait3A_16 = arith.constant 0 : i32
      %dma_wait3A_17 = tpu.memref_slice %arg6[%mul3A_2, %dma_wait3A_16] : memref<10240x128xf32, #tpu.memory_space<vmem_shared>> -> memref<640x128xf32, #tpu.memory_space<vmem_shared>>
      tpu.wait_dma2 semaphore(%run_scoped3A : memref<!tpu.dma_semaphore, #tpu.memory_space<semaphore_mem>>) src(%dma_wait3A_17 : memref<640x128xf32, #tpu.memory_space<vmem_shared>>) dst(%dma_wait3A_15 : memref<640x128xf32, #tpu.memory_space<hbm>>)
      tpu.yield
    }) : () -> ()
    return
  }
}

#map = affine_map<(d0, d1) -> (0, 0)>
#map1 = affine_map<(d0, d1) -> (0)>
#map2 = affine_map<(d0, d1) -> (0, 0, 0)>
module attributes {stable_mosaic.version = 14 : i64} {
  func.func @_spmm_body(%arg0: i32, %arg1: i32, %arg2: memref<10240x128xf32, #tpu.memory_space<hbm>>, %arg3: memref<320000xi32, #tpu.memory_space<hbm>>, %arg4: memref<320000xi32, #tpu.memory_space<hbm>>, %arg5: memref<2x10240x128xf32, #tpu.memory_space<hbm>>, %arg6: memref<10240x128xf32, #tpu.memory_space<vmem_shared>>, %arg7: memref<80xi32, #tpu.memory_space<vmem>>, %arg8: memref<80xi32, #tpu.memory_space<vmem>>, %arg9: memref<80x128xf32, #tpu.memory_space<vmem>>) attributes {dimension_semantics = [#tpu.dimension_semantics<core_parallel>, #tpu.dimension_semantics<subcore_parallel>], iteration_bounds = array<i64: 2, 16>, scalar_prefetch = 0 : i64, scratch_operands = 4 : i64, tpu.core_type = #tpu.core_type<sc_vector_subcore>, window_params = [{transform_indices = #map}, {transform_indices = #map1}, {transform_indices = #map1}, {transform_indices = #map2}]} {
    %mul3A = arith.constant 2 : i32
    %mul3A_0 = arith.muli %arg1, %mul3A : i32
    %add3A = arith.addi %mul3A_0, %arg0 : i32
    %mul3A_1 = arith.constant 640 : i32
    %mul3A_2 = arith.muli %arg1, %mul3A_1 : i32
    %mul3A_3 = arith.constant 10000 : i32
    %mul3A_4 = arith.muli %add3A, %mul3A_3 : i32
    "tpu.region"() ({
      %run_scoped3A = tpu.sem_alloc : memref<!tpu.dma_semaphore, #tpu.memory_space<semaphore_mem>>
      %dma_start3A = arith.constant 0 : i32
      %dma_start3A_10 = tpu.memref_slice %arg6[%mul3A_2, %dma_start3A] : memref<10240x128xf32, #tpu.memory_space<vmem_shared>> -> memref<640x128xf32, #tpu.memory_space<vmem_shared>>
      %dma_start3A_11 = arith.constant 0 : i32
      %dma_start3A_12 = tpu.memref_slice %arg2[%mul3A_2, %dma_start3A_11] : memref<10240x128xf32, #tpu.memory_space<hbm>> -> memref<640x128xf32, #tpu.memory_space<hbm>>
      tpu.enqueue_dma source(%dma_start3A_12 : memref<640x128xf32, #tpu.memory_space<hbm>>) target(%dma_start3A_10 : memref<640x128xf32, #tpu.memory_space<vmem_shared>>) target_semaphore(%run_scoped3A : memref<!tpu.dma_semaphore, #tpu.memory_space<semaphore_mem>>)
      %dma_wait3A = arith.constant 0 : i32
      %dma_wait3A_13 = tpu.memref_slice %arg6[%mul3A_2, %dma_wait3A] : memref<10240x128xf32, #tpu.memory_space<vmem_shared>> -> memref<640x128xf32, #tpu.memory_space<vmem_shared>>
      %dma_wait3A_14 = arith.constant 0 : i32
      %dma_wait3A_15 = tpu.memref_slice %arg2[%mul3A_2, %dma_wait3A_14] : memref<10240x128xf32, #tpu.memory_space<hbm>> -> memref<640x128xf32, #tpu.memory_space<hbm>>
      tpu.wait_dma2 semaphore(%run_scoped3A : memref<!tpu.dma_semaphore, #tpu.memory_space<semaphore_mem>>) src(%dma_wait3A_15 : memref<640x128xf32, #tpu.memory_space<hbm>>) dst(%dma_wait3A_13 : memref<640x128xf32, #tpu.memory_space<vmem_shared>>)
      tpu.yield
    }) : () -> ()
    %barrier3A = arith.constant 0 : index
    tpu.barrier barrier_id(%barrier3A)
    %scan3A = arith.constant 0 : i32
    %scan3A_5 = arith.constant 125 : i32
    %scan3A_6 = arith.addi %scan3A, %scan3A_5 : i32
    %scan3A_7 = arith.constant 1 : i32
    scf.for %scan3A_10 = %scan3A to %scan3A_6 step %scan3A_7  : i32 {
      %mul3A_11 = arith.constant 1 : i32
      %mul3A_12 = arith.muli %scan3A_10, %mul3A_11 : i32
      %add3A_13 = arith.constant 0 : i32
      %add3A_14 = arith.addi %add3A_13, %mul3A_12 : i32
      %mul3A_15 = arith.constant 80 : i32
      %mul3A_16 = arith.muli %add3A_14, %mul3A_15 : i32
      %add3A_17 = arith.addi %mul3A_4, %mul3A_16 : i32
      "tpu.region"() ({
        %run_scoped3A = tpu.sem_alloc : memref<!tpu.dma_semaphore, #tpu.memory_space<semaphore_mem>>
        %dma_start3A = tpu.memref_slice %arg4[%add3A_17] : memref<320000xi32, #tpu.memory_space<hbm>> -> memref<80xi32, #tpu.memory_space<hbm>>
        %dma_start3A_18 = tpu.memref_slice %arg4[%add3A_17] : memref<320000xi32, #tpu.memory_space<hbm>> -> memref<80xi32, #tpu.memory_space<hbm>>
        tpu.enqueue_dma source(%dma_start3A_18 : memref<80xi32, #tpu.memory_space<hbm>>) target(%arg8 : memref<80xi32, #tpu.memory_space<vmem>>) target_semaphore(%run_scoped3A : memref<!tpu.dma_semaphore, #tpu.memory_space<semaphore_mem>>)
        %dma_wait3A = tpu.memref_slice %arg4[%add3A_17] : memref<320000xi32, #tpu.memory_space<hbm>> -> memref<80xi32, #tpu.memory_space<hbm>>
        %dma_wait3A_19 = tpu.memref_slice %arg4[%add3A_17] : memref<320000xi32, #tpu.memory_space<hbm>> -> memref<80xi32, #tpu.memory_space<hbm>>
        tpu.wait_dma2 semaphore(%run_scoped3A : memref<!tpu.dma_semaphore, #tpu.memory_space<semaphore_mem>>) src(%dma_wait3A_19 : memref<80xi32, #tpu.memory_space<hbm>>) dst(%arg8 : memref<80xi32, #tpu.memory_space<vmem>>)
        tpu.yield
      }) : () -> ()
      "tpu.region"() ({
        %run_scoped3A = tpu.sem_alloc : memref<!tpu.dma_semaphore, #tpu.memory_space<semaphore_mem>>
        %dma_start3A = tpu.memref_slice %arg3[%add3A_17] : memref<320000xi32, #tpu.memory_space<hbm>> -> memref<80xi32, #tpu.memory_space<hbm>>
        %dma_start3A_18 = tpu.memref_slice %arg3[%add3A_17] : memref<320000xi32, #tpu.memory_space<hbm>> -> memref<80xi32, #tpu.memory_space<hbm>>
        tpu.enqueue_dma source(%dma_start3A_18 : memref<80xi32, #tpu.memory_space<hbm>>) target(%arg7 : memref<80xi32, #tpu.memory_space<vmem>>) target_semaphore(%run_scoped3A : memref<!tpu.dma_semaphore, #tpu.memory_space<semaphore_mem>>)
        %dma_wait3A = tpu.memref_slice %arg3[%add3A_17] : memref<320000xi32, #tpu.memory_space<hbm>> -> memref<80xi32, #tpu.memory_space<hbm>>
        %dma_wait3A_19 = tpu.memref_slice %arg3[%add3A_17] : memref<320000xi32, #tpu.memory_space<hbm>> -> memref<80xi32, #tpu.memory_space<hbm>>
        tpu.wait_dma2 semaphore(%run_scoped3A : memref<!tpu.dma_semaphore, #tpu.memory_space<semaphore_mem>>) src(%dma_wait3A_19 : memref<80xi32, #tpu.memory_space<hbm>>) dst(%arg7 : memref<80xi32, #tpu.memory_space<vmem>>)
        tpu.yield
      }) : () -> ()
      "tpu.region"() ({
        %run_scoped3A = tpu.sem_alloc : memref<!tpu.dma_semaphore, #tpu.memory_space<semaphore_mem>>
        %dma_start3A = arith.constant 0 : i32
        %dma_start3A_18 = arith.constant 0 : i32
        %dma_start3A_19 = tpu.memref_slice %arg2[%dma_start3A, %dma_start3A_18] : memref<10240x128xf32, #tpu.memory_space<hbm>> -> memref<10240x128xf32, #tpu.memory_space<hbm>>
        tpu.enqueue_indirect_dma source(%dma_start3A_19 : memref<10240x128xf32, #tpu.memory_space<hbm>>) target(%arg9 : memref<80x128xf32, #tpu.memory_space<vmem>>) offsets(%arg8 : memref<80xi32, #tpu.memory_space<vmem>>) semaphore(%run_scoped3A : memref<!tpu.dma_semaphore, #tpu.memory_space<semaphore_mem>>)
        %dma_wait3A = arith.constant 0 : i32
        %dma_wait3A_20 = arith.constant 0 : i32
        %dma_wait3A_21 = tpu.memref_slice %arg2[%dma_wait3A, %dma_wait3A_20] : memref<10240x128xf32, #tpu.memory_space<hbm>> -> memref<10240x128xf32, #tpu.memory_space<hbm>>
        tpu.wait_indirect_dma semaphore(%run_scoped3A : memref<!tpu.dma_semaphore, #tpu.memory_space<semaphore_mem>>) src(%dma_wait3A_21 : memref<10240x128xf32, #tpu.memory_space<hbm>>) dst(%arg9 : memref<80x128xf32, #tpu.memory_space<vmem>>)
        tpu.yield
      }) : () -> ()
      "tpu.region"() ({
        %run_scoped3A = tpu.sem_alloc : memref<!tpu.dma_semaphore, #tpu.memory_space<semaphore_mem>>
        %dma_start3A = arith.constant 0 : i32
        %dma_start3A_18 = arith.constant 0 : i32
        %dma_start3A_19 = tpu.memref_slice %arg6[%dma_start3A, %dma_start3A_18] : memref<10240x128xf32, #tpu.memory_space<vmem_shared>> -> memref<10240x128xf32, #tpu.memory_space<vmem_shared>>
        tpu.enqueue_indirect_dma source(%arg9 : memref<80x128xf32, #tpu.memory_space<vmem>>) target(%dma_start3A_19 : memref<10240x128xf32, #tpu.memory_space<vmem_shared>>) offsets(%arg7 : memref<80xi32, #tpu.memory_space<vmem>>) semaphore(%run_scoped3A : memref<!tpu.dma_semaphore, #tpu.memory_space<semaphore_mem>>) {add = true}
        %dma_wait3A = arith.constant 0 : i32
        %dma_wait3A_20 = arith.constant 0 : i32
        %dma_wait3A_21 = tpu.memref_slice %arg6[%dma_wait3A, %dma_wait3A_20] : memref<10240x128xf32, #tpu.memory_space<vmem_shared>> -> memref<10240x128xf32, #tpu.memory_space<vmem_shared>>
        tpu.wait_indirect_dma semaphore(%run_scoped3A : memref<!tpu.dma_semaphore, #tpu.memory_space<semaphore_mem>>) src(%arg9 : memref<80x128xf32, #tpu.memory_space<vmem>>) dst(%dma_wait3A_21 : memref<10240x128xf32, #tpu.memory_space<vmem_shared>>)
        tpu.yield
      }) : () -> ()
    }
    %scan3A_8 = arith.constant 125 : i32
    %barrier3A_9 = arith.constant 0 : index
    tpu.barrier barrier_id(%barrier3A_9)
    "tpu.region"() ({
      %run_scoped3A = tpu.sem_alloc : memref<!tpu.dma_semaphore, #tpu.memory_space<semaphore_mem>>
      %dma_start3A = arith.constant 0 : i32
      %dma_start3A_10 = tpu.memref_slice %arg5[%arg0, %mul3A_2, %dma_start3A] : memref<2x10240x128xf32, #tpu.memory_space<hbm>> -> memref<1x640x128xf32, #tpu.memory_space<hbm>>
      %dma_start3A_11 = tpu.memref_squeeze %dma_start3A_10 : memref<1x640x128xf32, #tpu.memory_space<hbm>> -> memref<640x128xf32, #tpu.memory_space<hbm>>
      %dma_start3A_12 = arith.constant 0 : i32
      %dma_start3A_13 = tpu.memref_slice %arg6[%mul3A_2, %dma_start3A_12] : memref<10240x128xf32, #tpu.memory_space<vmem_shared>> -> memref<640x128xf32, #tpu.memory_space<vmem_shared>>
      tpu.enqueue_dma source(%dma_start3A_13 : memref<640x128xf32, #tpu.memory_space<vmem_shared>>) target(%dma_start3A_11 : memref<640x128xf32, #tpu.memory_space<hbm>>) target_semaphore(%run_scoped3A : memref<!tpu.dma_semaphore, #tpu.memory_space<semaphore_mem>>)
      %dma_wait3A = arith.constant 0 : i32
      %dma_wait3A_14 = tpu.memref_slice %arg5[%arg0, %mul3A_2, %dma_wait3A] : memref<2x10240x128xf32, #tpu.memory_space<hbm>> -> memref<1x640x128xf32, #tpu.memory_space<hbm>>
      %dma_wait3A_15 = tpu.memref_squeeze %dma_wait3A_14 : memref<1x640x128xf32, #tpu.memory_space<hbm>> -> memref<640x128xf32, #tpu.memory_space<hbm>>
      %dma_wait3A_16 = arith.constant 0 : i32
      %dma_wait3A_17 = tpu.memref_slice %arg6[%mul3A_2, %dma_wait3A_16] : memref<10240x128xf32, #tpu.memory_space<vmem_shared>> -> memref<640x128xf32, #tpu.memory_space<vmem_shared>>
      tpu.wait_dma2 semaphore(%run_scoped3A : memref<!tpu.dma_semaphore, #tpu.memory_space<semaphore_mem>>) src(%dma_wait3A_17 : memref<640x128xf32, #tpu.memory_space<vmem_shared>>) dst(%dma_wait3A_15 : memref<640x128xf32, #tpu.memory_space<hbm>>)
      tpu.yield
    }) : () -> ()
    return
  }
}

module attributes {stable_mosaic.version = 14 : i64} {
  func.func @_mlp_body(%arg0: i32, %arg1: memref<1000x128xf32, #tpu.memory_space<vmem>>, %arg2: memref<1000x128xf32, #tpu.memory_space<vmem>>, %arg3: memref<1000x128xf32, #tpu.memory_space<vmem>>, %arg4: memref<128x128xf32, #tpu.memory_space<vmem>>, %arg5: memref<1x128xf32, #tpu.memory_space<vmem>>, %arg6: memref<128x128xf32, #tpu.memory_space<vmem>>, %arg7: memref<1x128xf32, #tpu.memory_space<vmem>>, %arg8: memref<128x128xf32, #tpu.memory_space<vmem>>, %arg9: memref<1x128xf32, #tpu.memory_space<vmem>>, %arg10: memref<128x128xf32, #tpu.memory_space<vmem>>, %arg11: memref<1x128xf32, #tpu.memory_space<vmem>>, %arg12: memref<1000x128xf32, #tpu.memory_space<vmem>>) attributes {dimension_semantics = [#tpu.dimension_semantics<arbitrary>], iteration_bounds = array<i64: 10>, scalar_prefetch = 0 : i64, scratch_operands = 0 : i64, tpu.core_type = #tpu.core_type<tc>, window_params = [{transform_indices = @transform_0, window_bounds = array<i64: 1000, 128>}, {transform_indices = @transform_1, window_bounds = array<i64: 1000, 128>}, {transform_indices = @transform_2, window_bounds = array<i64: 1000, 128>}, {pipeline_mode = #tpu.pipeline_mode<synchronous>, transform_indices = @transform_3, window_bounds = array<i64: 128, 128>}, {pipeline_mode = #tpu.pipeline_mode<synchronous>, transform_indices = @transform_4, window_bounds = array<i64: 1, 128>}, {pipeline_mode = #tpu.pipeline_mode<synchronous>, transform_indices = @transform_5, window_bounds = array<i64: 128, 128>}, {pipeline_mode = #tpu.pipeline_mode<synchronous>, transform_indices = @transform_6, window_bounds = array<i64: 1, 128>}, {pipeline_mode = #tpu.pipeline_mode<synchronous>, transform_indices = @transform_7, window_bounds = array<i64: 128, 128>}, {pipeline_mode = #tpu.pipeline_mode<synchronous>, transform_indices = @transform_8, window_bounds = array<i64: 1, 128>}, {pipeline_mode = #tpu.pipeline_mode<synchronous>, transform_indices = @transform_9, window_bounds = array<i64: 128, 128>}, {pipeline_mode = #tpu.pipeline_mode<synchronous>, transform_indices = @transform_10, window_bounds = array<i64: 1, 128>}, {transform_indices = @transform_11, window_bounds = array<i64: 1000, 128>}]} {
    %get3A = arith.constant 0 : index
    %get3A_0 = arith.constant 0 : index
    %get3A_1 = vector.load %arg1[%get3A, %get3A_0] : memref<1000x128xf32, #tpu.memory_space<vmem>>, vector<1000x128xf32>
    %get3A_2 = arith.constant 0 : index
    %get3A_3 = arith.constant 0 : index
    %get3A_4 = vector.load %arg4[%get3A_2, %get3A_3] : memref<128x128xf32, #tpu.memory_space<vmem>>, vector<128x128xf32>
    %dot_general3A = arith.constant dense<0.000000e+00> : vector<1000x128xf32>
    %dot_general3A_5 = tpu.matmul %get3A_1, %get3A_4, %dot_general3A {dimension_numbers = #tpu.dot_dimension_numbers<[1], [0], [0], [1], [0, 0, 1, 1], [], []>, transpose_lhs_hint = false} : vector<1000x128xf32>, vector<128x128xf32>, vector<1000x128xf32> -> vector<1000x128xf32>
    %get3A_6 = arith.constant 0 : index
    %get3A_7 = arith.constant 0 : index
    %get3A_8 = vector.load %arg5[%get3A_6, %get3A_7] : memref<1x128xf32, #tpu.memory_space<vmem>>, vector<1x128xf32>
    %add3A = vector.broadcast %get3A_8 : vector<1x128xf32> to vector<1000x128xf32>
    %add3A_9 = arith.addf %dot_general3A_5, %add3A : vector<1000x128xf32>
    %max3A = arith.constant 0.000000e+00 : f32
    %max3A_10 = vector.broadcast %max3A : f32 to vector<1000x128xf32>
    %max3A_11 = arith.maximumf %add3A_9, %max3A_10 : vector<1000x128xf32>
    %get3A_12 = arith.constant 0 : index
    %get3A_13 = arith.constant 0 : index
    %get3A_14 = vector.load %arg2[%get3A_12, %get3A_13] : memref<1000x128xf32, #tpu.memory_space<vmem>>, vector<1000x128xf32>
    %get3A_15 = arith.constant 0 : index
    %get3A_16 = arith.constant 0 : index
    %get3A_17 = vector.load %arg6[%get3A_15, %get3A_16] : memref<128x128xf32, #tpu.memory_space<vmem>>, vector<128x128xf32>
    %dot_general3A_18 = arith.constant dense<0.000000e+00> : vector<1000x128xf32>
    %dot_general3A_19 = tpu.matmul %get3A_14, %get3A_17, %dot_general3A_18 {dimension_numbers = #tpu.dot_dimension_numbers<[1], [0], [0], [1], [0, 0, 1, 1], [], []>, transpose_lhs_hint = false} : vector<1000x128xf32>, vector<128x128xf32>, vector<1000x128xf32> -> vector<1000x128xf32>
    %get3A_20 = arith.constant 0 : index
    %get3A_21 = arith.constant 0 : index
    %get3A_22 = vector.load %arg7[%get3A_20, %get3A_21] : memref<1x128xf32, #tpu.memory_space<vmem>>, vector<1x128xf32>
    %add3A_23 = vector.broadcast %get3A_22 : vector<1x128xf32> to vector<1000x128xf32>
    %add3A_24 = arith.addf %dot_general3A_19, %add3A_23 : vector<1000x128xf32>
    %max3A_25 = arith.constant 0.000000e+00 : f32
    %max3A_26 = vector.broadcast %max3A_25 : f32 to vector<1000x128xf32>
    %max3A_27 = arith.maximumf %add3A_24, %max3A_26 : vector<1000x128xf32>
    %get3A_28 = arith.constant 0 : index
    %get3A_29 = arith.constant 0 : index
    %get3A_30 = vector.load %arg3[%get3A_28, %get3A_29] : memref<1000x128xf32, #tpu.memory_space<vmem>>, vector<1000x128xf32>
    %get3A_31 = arith.constant 0 : index
    %get3A_32 = arith.constant 0 : index
    %get3A_33 = vector.load %arg8[%get3A_31, %get3A_32] : memref<128x128xf32, #tpu.memory_space<vmem>>, vector<128x128xf32>
    %dot_general3A_34 = arith.constant dense<0.000000e+00> : vector<1000x128xf32>
    %dot_general3A_35 = tpu.matmul %get3A_30, %get3A_33, %dot_general3A_34 {dimension_numbers = #tpu.dot_dimension_numbers<[1], [0], [0], [1], [0, 0, 1, 1], [], []>, transpose_lhs_hint = false} : vector<1000x128xf32>, vector<128x128xf32>, vector<1000x128xf32> -> vector<1000x128xf32>
    %get3A_36 = arith.constant 0 : index
    %get3A_37 = arith.constant 0 : index
    %get3A_38 = vector.load %arg9[%get3A_36, %get3A_37] : memref<1x128xf32, #tpu.memory_space<vmem>>, vector<1x128xf32>
    %add3A_39 = vector.broadcast %get3A_38 : vector<1x128xf32> to vector<1000x128xf32>
    %add3A_40 = arith.addf %dot_general3A_35, %add3A_39 : vector<1000x128xf32>
    %max3A_41 = arith.constant 0.000000e+00 : f32
    %max3A_42 = vector.broadcast %max3A_41 : f32 to vector<1000x128xf32>
    %max3A_43 = arith.maximumf %add3A_40, %max3A_42 : vector<1000x128xf32>
    %add3A_44 = arith.addf %max3A_11, %max3A_27 : vector<1000x128xf32>
    %add3A_45 = arith.addf %add3A_44, %max3A_43 : vector<1000x128xf32>
    %mul3A = arith.constant 0.333333343 : f32
    %mul3A_46 = vector.broadcast %mul3A : f32 to vector<1000x128xf32>
    %mul3A_47 = arith.mulf %add3A_45, %mul3A_46 : vector<1000x128xf32>
    %get3A_48 = arith.constant 0 : index
    %get3A_49 = arith.constant 0 : index
    %get3A_50 = vector.load %arg10[%get3A_48, %get3A_49] : memref<128x128xf32, #tpu.memory_space<vmem>>, vector<128x128xf32>
    %dot_general3A_51 = arith.constant dense<0.000000e+00> : vector<1000x128xf32>
    %dot_general3A_52 = tpu.matmul %mul3A_47, %get3A_50, %dot_general3A_51 {dimension_numbers = #tpu.dot_dimension_numbers<[1], [0], [0], [1], [0, 0, 1, 1], [], []>, transpose_lhs_hint = false} : vector<1000x128xf32>, vector<128x128xf32>, vector<1000x128xf32> -> vector<1000x128xf32>
    %get3A_53 = arith.constant 0 : index
    %get3A_54 = arith.constant 0 : index
    %get3A_55 = vector.load %arg11[%get3A_53, %get3A_54] : memref<1x128xf32, #tpu.memory_space<vmem>>, vector<1x128xf32>
    %add3A_56 = vector.broadcast %get3A_55 : vector<1x128xf32> to vector<1000x128xf32>
    %add3A_57 = arith.addf %dot_general3A_52, %add3A_56 : vector<1000x128xf32>
    %max3A_58 = arith.constant 0.000000e+00 : f32
    %max3A_59 = vector.broadcast %max3A_58 : f32 to vector<1000x128xf32>
    %max3A_60 = arith.maximumf %add3A_57, %max3A_59 : vector<1000x128xf32>
    %swap3A = arith.constant 0 : index
    %swap3A_61 = arith.constant 0 : index
    %swap3A_62 = vector.load %arg12[%swap3A, %swap3A_61] : memref<1000x128xf32, #tpu.memory_space<vmem>>, vector<1000x128xf32>
    tpu.vector_store %arg12[%swap3A, %swap3A_61], %max3A_60 {strides = array<i32>} : memref<1000x128xf32, #tpu.memory_space<vmem>>, vector<1000x128xf32>,
    return
  }
  func.func @transform_0(%arg0: i32) -> (i32, i32) {
    %c0_i32 = arith.constant 0 : i32
    %c0_i32_0 = arith.constant 0 : i32
    return %arg0, %c0_i32 : i32, i32
  }
  func.func @transform_1(%arg0: i32) -> (i32, i32) {
    %c0_i32 = arith.constant 0 : i32
    %c0_i32_0 = arith.constant 0 : i32
    return %arg0, %c0_i32 : i32, i32
  }
  func.func @transform_2(%arg0: i32) -> (i32, i32) {
    %c0_i32 = arith.constant 0 : i32
    %c0_i32_0 = arith.constant 0 : i32
    return %arg0, %c0_i32 : i32, i32
  }
  func.func @transform_3(%arg0: i32) -> (i32, i32) {
    %c0_i32 = arith.constant 0 : i32
    %c0_i32_0 = arith.constant 0 : i32
    %c0_i32_1 = arith.constant 0 : i32
    return %c0_i32, %c0_i32_0 : i32, i32
  }
  func.func @transform_4(%arg0: i32) -> (i32, i32) {
    %c0_i32 = arith.constant 0 : i32
    %c0_i32_0 = arith.constant 0 : i32
    %c0_i32_1 = arith.constant 0 : i32
    return %c0_i32, %c0_i32_0 : i32, i32
  }
  func.func @transform_5(%arg0: i32) -> (i32, i32) {
    %c0_i32 = arith.constant 0 : i32
    %c0_i32_0 = arith.constant 0 : i32
    %c0_i32_1 = arith.constant 0 : i32
    return %c0_i32, %c0_i32_0 : i32, i32
  }
  func.func @transform_6(%arg0: i32) -> (i32, i32) {
    %c0_i32 = arith.constant 0 : i32
    %c0_i32_0 = arith.constant 0 : i32
    %c0_i32_1 = arith.constant 0 : i32
    return %c0_i32, %c0_i32_0 : i32, i32
  }
  func.func @transform_7(%arg0: i32) -> (i32, i32) {
    %c0_i32 = arith.constant 0 : i32
    %c0_i32_0 = arith.constant 0 : i32
    %c0_i32_1 = arith.constant 0 : i32
    return %c0_i32, %c0_i32_0 : i32, i32
  }
  func.func @transform_8(%arg0: i32) -> (i32, i32) {
    %c0_i32 = arith.constant 0 : i32
    %c0_i32_0 = arith.constant 0 : i32
    %c0_i32_1 = arith.constant 0 : i32
    return %c0_i32, %c0_i32_0 : i32, i32
  }
  func.func @transform_9(%arg0: i32) -> (i32, i32) {
    %c0_i32 = arith.constant 0 : i32
    %c0_i32_0 = arith.constant 0 : i32
    %c0_i32_1 = arith.constant 0 : i32
    return %c0_i32, %c0_i32_0 : i32, i32
  }
  func.func @transform_10(%arg0: i32) -> (i32, i32) {
    %c0_i32 = arith.constant 0 : i32
    %c0_i32_0 = arith.constant 0 : i32
    %c0_i32_1 = arith.constant 0 : i32
    return %c0_i32, %c0_i32_0 : i32, i32
  }
  func.func @transform_11(%arg0: i32) -> (i32, i32) {
    %c0_i32 = arith.constant 0 : i32
    %c0_i32_0 = arith.constant 0 : i32
    return %arg0, %c0_i32 : i32, i32
  }
}

</mosaic_0001>

<sc_bundles>
// kernel: kernel.5.cloned.1.call-start
scs
__scs_entry_jumppad:
0x0: {  	(pc) =	sbr.rel $0x88, $3  }
0x1: {  	(tag) =	ssettag $0x0;
	lr =	simm.s32 $0x1  }
0x2: {  	[smem:$0x3F97] =	sst lr;
	_ =	strace $0xD0000000  }
0x3: {  	_ = 	snop  }
0x4: {  	_ = 	snop  }
0x5: {  	_ = 	snop  }
0x6: {  	_ = 	snop  }
0x7: {  	_ = 	snop  }
__scs_overlays_trampoline_lowered:
0x8: {  	[smem:$0x3FA6] =	sst s0  }
0x9: {  	[smem:$0x3FA7] =	sst s1  }
0xa: {  	[smem:$0x3FA8] =	sst s2  }
0xb: {  	[smem:$0x3FA9] =	sst s3  }
0xc: {  	[smem:$0x3FAA] =	sst s4  }
0xd: {  	[smem:$0x3FAB] =	sst s5  }
0xe: {  	[smem:$0x3FAC] =	sst s6  }
0xf: {  	[smem:$0x3FAD] =	sst s7  }
0x10: {  	[smem:$0x3FAE] =	sst s8  }
0x11: {  	[smem:$0x3FAF] =	sst s9;
	s0 =	simm.s32 @!p0 $0x0  }
0x12: {  	s1 =	sld [smem:$0x3F95];
	s0 =	simm.s32 @p0 $0x1  }
0x13: {  	[smem:$0x3FB0] =	sst s0;
	s0 =	simm.s32 @!p1 $0x0  }
0x14: {  	s2 =	sld [smem:$0x3F94];
	s0 =	simm.s32 @p1 $0x1  }
0x15: {  	[smem:$0x3FB1] =	sst s0;
	s0 =	simm.s32 @!p2 $0x0  }
0x16: {  	s3 =	sld [smem:$0x3FDB];
	s0 =	simm.s32 @p2 $0x1  }
0x17: {  	s4 =	simm.s32 $0x1BF5;
	[smem:$0x3FB3] =	sst s0  }
0x18: {  	s0 =	sld [smem:$0x3F96];
	_ =	swait.ge [sflag:s4], $0x0  }
0x19: {  	s7 =	sld [smem:$0x3F97]  }
0x1a: {  	s8 =	sadd.s32 $0xFFFFE003, lr  }
0x1b: {  	s9 =	sadd.s32 $0xFFFFFEF7, lr;
	s5 =	simm.s32 $0xFFFFFFFF;
	p2 =	slt.u32 s8, $0xFFFFF086  }
0x1c: {  	p1 =	slt.u32 s9, $0xF7A;
	s5 =	simm.s32 @!p2 $0x0  }
0x1d: {  	s5 =	simm.s32 @p1 $0x1;
	p0 =	seq.s32 s7, s2  }
0x1e: {  	s7 =	smul.u32 @!p0 $0xF7A, s2;
	p2 =	seq.s32 @!p0 s5, $0x0  }
0x1f: {  	s9 =	smul.u32 $0xF7A, s1;
	s8 =	simm.s32 @!p0 $0x1BF5;
	p2 =	por !p2, p0  }
0x20: {  	[sflag:s8] =	ssyncset.s32 @!p0 $0xFFFFF086;
	s6 =	sadd.s32 @!p0 s3, s7;
	s7 =	simm.s32 @!p0 $0x108  }
0x21: {  	s3 =	sadd.s32 s3, s9;
	s6 =	sadd.s32 @!p0 $0x88, s6;
	s7 =	simm.s32 @p2 $0x1082  }
0x22: {  	[simem:s7], [sflag:s8] =	dma.local @!p0 [hbm:s6], $0xF7A  }
0x23: {  	s9 =	sor.u32 $0xD0000000, s2;
	s6 =	simm.s32 $0x108;
	_ =	swait.ge @!p0 [sflag:s8], $0x0  }
0x24: {  	s3 =	sadd.s32 $0x88, s3;
	s6 =	simm.s32 @!p1 $0x1082;
	[sflag:s4] =	ssyncset.s32 $0xFFFFF086  }
0x25: {  	[simem:s6], [sflag:s4] =	dma.local [hbm:s3], $0xF7A  }
0x26: {  	[smem:$0x3F97] =	sst s1;
	(tag) =	ssettag s2;
	_ =	strace s9  }
0x27: {  	s1 =	sld [smem:$0x3FA7]  }
0x28: {  	s2 =	sld [smem:$0x3FA8]  }
0x29: {  	s4 =	sld [smem:$0x3FAA]  }
0x2a: {  	p0 =	seq.s32 s5, $0x0;
	s5 =	sld [smem:$0x3FAB]  }
0x2b: {  	s6 =	sld [smem:$0x3FAC]  }
0x2c: {  	s7 =	sld [smem:$0x3FAD]  }
0x2d: {  	s3 =	simm.s32 $0x108;
	s8 =	sld [smem:$0x3FAE]  }
0x2e: {  	s3 =	simm.s32 @!p0 $0x1082;
	s9 =	sld [smem:$0x3FAF]  }
0x2f: {  	lr =	sadd.s32 s0, s3;
	s0 =	sld [smem:$0x3FA6]  }
0x30: {  	s3 =	sld [smem:$0x3FA9]  }
0x31: {  	[smem:$0x3FB2] =	sst s10  }
0x32: {  	s10 =	sld [smem:$0x3FB0];
	_ =	sdelay $0x3  }
0x33: {  	p0 =	seq.s32 s10, $0x1;
	s10 =	sld [smem:$0x3FB2];
	_ =	sdelay $0x3  }
0x34: {  	[smem:$0x3FB2] =	sst s10  }
0x35: {  	s10 =	sld [smem:$0x3FB1];
	_ =	sdelay $0x3  }
0x36: {  	p1 =	seq.s32 s10, $0x1;
	s10 =	sld [smem:$0x3FB2];
	_ =	sdelay $0x3  }
0x37: {  	[smem:$0x3FB2] =	sst s10  }
0x38: {  	s10 =	sld [smem:$0x3FB3]  }
0x39: {  	_ = 	snop;
	(pc) =	sbr.ind lr, $3  }
0x3a: {  	_ = 	snop  }
0x3b: {  	_ = 	snop  }
0x3c: {  	p2 =	seq.s32 s10, $0x1;
	s10 =	sld [smem:$0x3FB2]  }
0x3d: {  	_ =	shalt  }
0x3e: {  	_ =	shalt  }
0x3f: {  	_ =	shalt  }
0x40: {  	_ =	shalt  }
0x41: {  	_ =	shalt  }
0x42: {  	_ =	shalt  }
0x43: {  	_ =	shalt  }
0x44: {  	_ =	shalt  }
0x45: {  	_ =	shalt  }
0x46: {  	_ =	shalt  }
0x47: {  	_ =	shalt  }
0x48: {  	_ =	shalt  }
0x49: {  	_ =	shalt  }
0x4a: {  	_ =	shalt  }
0x4b: {  	_ =	shalt  }
0x4c: {  	_ =	shalt  }
0x4d: {  	_ =	shalt  }
0x4e: {  	_ =	shalt  }
0x4f: {  	_ =	shalt  }
0x50: {  	_ =	shalt  }
0x51: {  	_ =	shalt  }
0x52: {  	_ =	shalt  }
0x53: {  	_ =	shalt  }
0x54: {  	_ =	shalt  }
0x55: {  	_ =	shalt  }
0x56: {  	_ =	shalt  }
0x57: {  	_ =	shalt  }
0x58: {  	_ =	shalt  }
0x59: {  	_ =	shalt  }
0x5a: {  	_ =	shalt  }
0x5b: {  	_ =	shalt  }
0x5c: {  	_ =	shalt  }
0x5d: {  	_ =	shalt  }
0x5e: {  	_ =	shalt  }
0x5f: {  	_ =	shalt  }
0x60: {  	_ =	shalt  }
0x61: {  	_ =	shalt  }
0x62: {  	_ =	shalt  }
0x63: {  	_ =	shalt  }
0x64: {  	_ =	shalt  }
0x65: {  	_ =	shalt  }
0x66: {  	_ =	shalt  }
0x67: {  	_ =	shalt  }
0x68: {  	_ =	shalt  }
0x69: {  	_ =	shalt  }
0x6a: {  	_ =	shalt  }
0x6b: {  	_ =	shalt  }
0x6c: {  	_ =	shalt  }
0x6d: {  	_ =	shalt  }
0x6e: {  	_ =	shalt  }
0x6f: {  	_ =	shalt  }
0x70: {  	_ =	shalt  }
0x71: {  	_ =	shalt  }
0x72: {  	_ =	shalt  }
0x73: {  	_ =	shalt  }
0x74: {  	_ =	shalt  }
0x75: {  	_ =	shalt  }
0x76: {  	_ =	shalt  }
0x77: {  	_ =	shalt  }
0x78: {  	_ =	shalt  }
0x79: {  	_ =	shalt  }
0x7a: {  	_ =	shalt  }
0x7b: {  	_ =	shalt  }
0x7c: {  	_ =	shalt  }
0x7d: {  	_ =	shalt  }
0x7e: {  	_ =	shalt  }
0x7f: {  	_ =	shalt  }
0x80: {  	_ =	shalt  }
0x81: {  	_ =	shalt  }
0x82: {  	_ =	shalt  }
0x83: {  	_ =	shalt  }
0x84: {  	_ =	shalt  }
0x85: {  	_ =	shalt  }
0x86: {  	_ =	shalt  }
0x87: {  	_ =	shalt  }
.Lfunc_end0:
.L_simem_size_0:
called_computation.2_lowered:
.L_overlay_start_0:
0x88: {  	s2 =	sld [smem:$0x3FD9]  }
0x89: {  	s3 =	sld [smem:$0x3FFE];
	_ =	sdelay $0x1  }
0x8a: {  	s1 =	srdreg.scid  }
0x8b: {  	s0 =	sand.u32 $0x1, s1  }
0x8c: {  	s17 =	sshll.u32 s0, $0xA;
	s2 =	sadd.s32 s3, s2  }
0x8d: {  	s2 =	sadd.s32 s2, s17  }
0x8e: {  	[smem:$0x3FBE] =	sst s2  }
0x8f: {  	_ = 	snop  }
0x90: {  	(tm) =	ssettm $0x1  }
0x91: {  	s18 =	sld [smem:$0x3FFB];
	_ =	sdelay $0x3  }
0x92: {  	_ =	strace s18  }
0x93: {  	s2 =	sld [smem:$0x3FFC];
	_ =	sdelay $0x3  }
0x94: {  	_ =	strace s2  }
0x95: {  	s2 =	sld [smem:$0x3FFD];
	_ =	sdelay $0x3  }
0x96: {  	_ =	strace s2  }
0x97: {  	_ =	strace $0x8FFFFFFF  }
0x98: {  	s19 =	sld [smem:$0x3FDB];
	_ =	sdelay $0x1  }
0x99: {  	s20 =	simm.s32 $_scs_section_size  }
0x9a: {  	s4 =	simm.s32 $_size__tile_overlayer_lowered;
	s5 =	simm.s32 $_tile_overlayer_lowered  }
0x9b: {  	s6 =	simm.s32 $0x1BFF;
	s21 =	sshll.u32 s5, $0x1;
	s3 =	sadd.s32 s20, s19  }
0x9c: {  	s22 =	simm.s32 $0x0;
	s4 =	sshll.u32 s4, $0x1;
	s5 =	sadd.s32 s21, s3  }
0x9d: {  	[timem:s22], [sflag:s6] =	dma.local [hbm:s5], s4  }
0x9e: {  	_ =	swait.ge [sflag:s6], s4  }
0x9f: {  	s4 =	ssub.s32 $0x0, s4;
	[sflag:s6] =	ssyncset.done $0x0  }
0xa0: {  	[sflag:s6] =	ssyncadd.s32 s4;
	_ =	sdelay $0x1  }
0xa1: {  	s23 =	simm.s32 $0x1B8B  }
0xa2: {  	_ =	swait.ge [sflag:s23], $0x1  }
0xa3: {  	[sflag:s23] =	ssyncset.done $0x0  }
0xa4: {  	[sflag:s23] =	ssyncadd.s32 $0xFFFFFFFF  }
0xa5: {  	s4 =	sld [smem:$0x0]  }
0xa6: {  	s5 =	sand.u32 $0xFFFFFFFE, s1  }
0xa7: {  	p0 =	sne.s32 s1, s5  }
0xa8: {  	s5 =	sshll.u32 @p0 s5, $0xE  }
0xa9: {  	s5 =	sadd.s32 @p0 $0x11B8D, s5;
	s6 =	sshll.u32 @p0 s4, $0x11  }
0xaa: {  	s5 =	sor.u32 @p0 s6, s5  }
0xab: {  	[sflag:s5] =	ssyncadd.remote.s32 @p0 $0x1;
	_ =	sdelay $0x1  }
0xac: {  	s5 =	simm.s32 @p0 $0x1B8D  }
0xad: {  	_ =	swait.eq @p0 [sflag:s5], $0x1  }
0xae: {  	[sflag:s5] =	ssyncadd.s32 @p0 $0xFFFFFFFF  }
0xaf: {  	s6 =	sshll.u32 @!p0 s1, $0xE  }
0xb0: {  	s6 =	sor.u32 @!p0 $0x4000, s6;
	s5 =	simm.s32 @!p0 $0x1B8D  }
0xb1: {  	s4 =	sshll.u32 @!p0 s4, $0x11;
	s6 =	sadd.s32 @!p0 $0x11B8D, s6;
	_ =	swait.eq @!p0 [sflag:s5], $0x1  }
0xb2: {  	s4 =	sor.u32 @!p0 s4, s6;
	[sflag:s5] =	ssyncadd.s32 @!p0 $0xFFFFFFFF  }
0xb3: {  	s25 =	simm.s32 $0x1B8E;
	s24 =	sld [smem:$0x3FFE];
	[sflag:s4] =	ssyncadd.remote.s32 @!p0 $0x1  }
0xb4: {  	s26 =	simm.s32 $execute0_lowered;
	[smem:$0x3FD2] =	sst s25  }
0xb5: {  	s5 =	sshll.u32 s26, $0x1;
	_ =	strace $0x8000004F;
	[dreg:$0x1] =	wrdreg $0xFFFFFFFF  }
0xb6: {  	s28 =	simm.s32 $_size_execute0_lowered;
	s3 =	sadd.s32 s3, s5;
	[dreg:$0x0] =	wrdreg $0x0  }
0xb7: {  	s5 =	sshll.u32 s28, $0x1;
	[dreg:$0x2] =	wrdreg s3  }
0xb8: {  	[dreg:$0x3] =	wrdreg s5  }
0xb9: {  	[dreg:$0x4] =	wrdreg $0xC0  }
0xba: {  	_ =	task [dreg:s22], $0x5FFFF  }
0xbb: {  	[dreg:$0x1] =	wrdreg $0xFFFFFFFF  }
0xbc: {  	[dreg:$0x0] =	wrdreg $0x60  }
0xbd: {  	[dreg:$0x2] =	wrdreg s24  }
0xbe: {  	[dreg:$0x3] =	wrdreg $0x0  }
0xbf: {  	[dreg:$0x4] =	wrdreg $0xA  }
0xc0: {  	_ =	task.clear_ibuf [dreg:s22], $0x5FFFF;
	_ =	strace $0x9000004F  }
0xc1: {  	s29 =	simm.s32 $0xA;
	_ =	strace $0x80000051  }
0xc2: {  	_ =	swait.ge [sflag:s29], $0x1  }
0xc3: {  	[sflag:s29] =	ssyncadd.s32 $0xFFFFFFFF  }
0xc4: {  	_ =	strace $0x90000051  }
0xc5: {  	_ =	sfence  }
0xc6: {  	s30 =	sld [smem:$0x0];
	_ =	sdelay $0x2  }
0xc7: {  	s31 =	sshll.u32 s1, $0xD;
	s1 =	sshrl.u32 s1, $0x2  }
0xc8: {  	s4 =	sand.u32 $0x4000, s31;
	s1 =	sadd.s32 s1, s30  }
0xc9: {  	s0 =	sor.u32 s4, s0;
	s1 =	sshll.u32 s1, $0x11  }
0xca: {  	s0 =	sor.u32 s1, s0  }
0xcb: {  	s0 =	sadd.s32 $0x8F2B, s0  }
0xcc: {  	[sflag:s0] =	ssyncadd.remote.s32 $0x1  }
0xcd: {  	_ =	sfence.sel $0xFFFF  }
0xce: {  	[dreg:$0x0] =	wrdreg $0xFFFFFFFF;
	(pc) =	sbr.abs _section_cstart, $3  }
0xcf: {  	[dreg:$0x1] =	wrdreg $0xFFFFFFFF  }
0xd0: {  	_ =	task.clear_ibuf [dreg:s22], $0x2FFFF;
	_ =	strace $0x9FFFFFFF  }
0xd1: {  	(tm) =	ssettm $0x7FFFFFFF  }
tec
execute0_lowered:
.L_overlay_start_1:
0x0: {  	(tag) =	ssettag $0x1  }
0x1: {  	s1 =	srdreg.scid;
	s5 =	rddreg [dreg:$0x0]  }
0x2: {  	s0 =	stileid.u32;
	s2 =	rddreg [dreg:$0x1];
	s3 =	simm.s32 $0x0  }
0x3: {  	s13 =	simm.s32 $0x14080;
	s14 =	simm.s32 $0x14000;
	s4 =	smul.u32 $0x4E20, s0  }
0x4: {  	s15 =	simm.s32 $0x50;
	s16 =	simm.s32 $0x14100;
	s8 =	smul.u32 $0x14000, s0  }
0x5: {  	s6 =	sand.u32 $0x1, s1;
	s1 =	rddreg [dreg:$0x2];
	s10 =	smul.u32 $0x50000, s0  }
0x6: {  	s17 =	simm.s32 $0x0;
	[smem:$0x7FF] =	sst s3;
	s7 =	smul.u32 $0x2710, s6  }
0x7: {  	s31 =	sshll.u32 s0, $0x6;
	s9 =	smul.u32 $0x140000, s6;
	s6 =	ssub.s32 $0x2, s6  }
0x8: {  	_ =	strace $0x80000050;
	s26 =	sshrl.u32 s6, $0x1;
	s29 =	sshrl.u32 s10, $0x2  }
0x9: {  	s30 =	sshrl.u32 s8, $0x3;
	s7 =	sadd.s32 s7, s4;
	s4 =	sadd.s32 $0x32600, s5  }
0xa: {  	s9 =	sadd.s32 s8, s9;
	s28 =	ssub.s32 s6, s26;
	s12 =	sadd.s32 s29, s2  }
0xb: {  	s6 =	sor.u32 $0x1C01, s31;
	s7 =	sshrl.u32 s7, $0x3;
	s9 =	sshrl.u32 s9, $0x3  }
0xc: {  	s8 =	smax.u32 s28, $0x1;
	s11 =	sadd.s32 s7, s5;
	s25 =	sadd.s32 s9, s5  }
0xd: {  	s5 =	sadd.s32 s4, s30;
	s7 =	sadd.s32 $0x5A600, s25;
	s9 =	sadd.s32 $0x28800, s11  }
0xe: {  	s10 =	sadd.s32 $0x1EA00, s11;
	s11 =	sshrl.u32 s12, $0x3;
	s12 =	simm.s32 $0x1  }
.LBB2_1:
0xf: {  	[spmem:s11], [sflag:s6] =	dma.local [hbm:s5], $0x2800  }
0x10: {  	_ =	swait.ge [sflag:s12], $0x2800  }
0x11: {  	[sflag:s12] =	ssyncset.done $0x0  }
0x12: {  	[sflag:s12] =	ssyncadd.s32 $0xFFFFD800  }
0x13: {  	s18 =	sadd.s32 $0x0, s10;
	[bflag:$0x0] =	sbarrier.arrive $0xFFFF  }
0x14: {  	[tilespmem:s13], [sflag:$0x1] =	stream.linear.gather [hbm4b:s18+s3], $0x50, $0x38;
	[tilespmem:$0x16900] =	vst v63  }
0x15: {  	_ =	swait.ge [sflag:s12], $0x50  }
0x16: {  	[sflag:s12] =	ssyncset.done $0x0  }
0x17: {  	s31 =	sadd.s32 $0x0, s9;
	[sflag:s12] =	ssyncadd.s32 $0xFFFFFFB0  }
0x18: {  	[tilespmem:s14], [sflag:$0x1] =	stream.linear.gather [hbm4b:s31+s3], $0x50, $0x38;
	[tilespmem:$0x16900] =	vst v63  }
0x19: {  	_ =	swait.ge [sflag:s12], $0x50  }
0x1a: {  	[sflag:s12] =	ssyncset.done $0x0  }
0x1b: {  	[sflag:s12] =	ssyncadd.s32 $0xFFFFFFB0  }
0x1c: {  	[tilespmem:s16], [sflag:$0x1] =	stream.indirect.gather [hbm4b:s4+s15], $0x80, s13, s15, $0xb8;
	[tilespmem:$0x16900] =	vst v63  }
0x1d: {  	_ =	swait.ge [sflag:s12], $0x2800  }
0x1e: {  	[sflag:s12] =	ssyncset.done $0x0  }
0x1f: {  	[sflag:s12] =	ssyncadd.s32 $0xFFFFD800  }
0x20: {  	[spmem:s2] =	stream.indirect.scatter.add.f32 [tilespmem:s16], [sflag:$0x1], $0x80, s14, s15, $0xb8;
	[tilespmem:$0x16900] =	vst v63  }
0x21: {  	_ =	swait.ge [sflag:s12], $0x2800  }
0x22: {  	s19 =	simm.s32 $0x14;
	s18 =	simm.s32 $0xA;
	[sflag:s12] =	ssyncset.done $0x0  }
.LBB2_2:
0x23: {  	s20 =	sadd.s32 s18, s10  }
0x24: {  	[sflag:s12] =	ssyncadd.s32 $0xFFFFD800;
	s21 =	smov.u32 s19;
	s22 =	sadd.s32 $0xA, s19  }
0x25: {  	[tilespmem:s13], [sflag:$0x1] =	stream.linear.gather [hbm4b:s20+s3], $0x50, $0x38;
	[tilespmem:$0x16900] =	vst v63  }
0x26: {  	p0 =	sne.s32 s19, $0x4D8;
	_ =	swait.ge [sflag:s12], $0x50  }
0x27: {  	[sflag:s12] =	ssyncset.done $0x0  }
0x28: {  	s19 =	sadd.s32 s18, s9;
	s18 =	smov.u32 s21;
	[sflag:s12] =	ssyncadd.s32 $0xFFFFFFB0  }
0x29: {  	[tilespmem:s14], [sflag:$0x1] =	stream.linear.gather [hbm4b:s19+s3], $0x50, $0x38;
	[tilespmem:$0x16900] =	vst v63  }
0x2a: {  	_ =	swait.ge [sflag:s12], $0x50  }
0x2b: {  	[sflag:s12] =	ssyncset.done $0x0  }
0x2c: {  	[sflag:s12] =	ssyncadd.s32 $0xFFFFFFB0  }
0x2d: {  	[tilespmem:s16], [sflag:$0x1] =	stream.indirect.gather [hbm4b:s4+s15], $0x80, s13, s15, $0xb8;
	[tilespmem:$0x16900] =	vst v63  }
0x2e: {  	_ =	swait.ge [sflag:s12], $0x2800  }
.Ltmp0:
0x2f: {  	[sflag:s12] =	ssyncset.done $0x0;
	(pc) =	sbr.rel @p0 .LBB2_2-.Ltmp0, $4  }
0x30: {  	[sflag:s12] =	ssyncadd.s32 $0xFFFFD800  }
0x31: {  	[spmem:s2] =	stream.indirect.scatter.add.f32 [tilespmem:s16], [sflag:$0x1], $0x80, s14, s15, $0xb8;
	[tilespmem:$0x16900] =	vst v63  }
0x32: {  	_ =	swait.ge [sflag:s12], $0x2800  }
0x33: {  	s19 =	smov.u32 s22;
	[sflag:s12] =	ssyncset.done $0x0  }
0x34: {  	s19 =	sadd.s32 s18, s10;
	[sflag:s12] =	ssyncadd.s32 $0xFFFFD800  }
0x35: {  	[tilespmem:s13], [sflag:$0x1] =	stream.linear.gather [hbm4b:s19+s3], $0x50, $0x38;
	[tilespmem:$0x16900] =	vst v63  }
0x36: {  	_ =	swait.ge [sflag:s12], $0x50  }
0x37: {  	[sflag:s12] =	ssyncset.done $0x0  }
0x38: {  	s31 =	sadd.s32 s18, s9;
	[sflag:s12] =	ssyncadd.s32 $0xFFFFFFB0  }
0x39: {  	[tilespmem:s14], [sflag:$0x1] =	stream.linear.gather [hbm4b:s31+s3], $0x50, $0x38;
	[tilespmem:$0x16900] =	vst v63  }
0x3a: {  	_ =	swait.ge [sflag:s12], $0x50  }
0x3b: {  	[sflag:s12] =	ssyncset.done $0x0  }
0x3c: {  	[sflag:s12] =	ssyncadd.s32 $0xFFFFFFB0  }
0x3d: {  	[tilespmem:s16], [sflag:$0x1] =	stream.indirect.gather [hbm4b:s4+s15], $0x80, s13, s15, $0xb8;
	[tilespmem:$0x16900] =	vst v63  }
0x3e: {  	_ =	swait.ge [sflag:s12], $0x2800  }
0x3f: {  	[sflag:s12] =	ssyncset.done $0x0  }
0x40: {  	[sflag:s12] =	ssyncadd.s32 $0xFFFFD800  }
0x41: {  	[spmem:s2] =	stream.indirect.scatter.add.f32 [tilespmem:s16], [sflag:$0x1], $0x80, s14, s15, $0xb8;
	[tilespmem:$0x16900] =	vst v63  }
0x42: {  	_ =	swait.ge [sflag:s12], $0x2800  }
0x43: {  	s17 =	sadd.s32 $0x1, s17;
	[sflag:s12] =	ssyncset.done $0x0  }
0x44: {  	p0 =	sne.s32 s17, s8;
	[sflag:s12] =	ssyncadd.s32 $0xFFFFD800  }
.Ltmp1:
0x45: {  	[bflag:$0x0] =	sbarrier.arrive $0xFFFF;
	(pc) =	sbr.rel @p0 .LBB2_1-.Ltmp1, $4  }
0x46: {  	[hbm:s7], [sflag:s6] =	dma.local [spmem:s11], $0x2800  }
0x47: {  	_ =	swait.ge [sflag:s12], $0x2800  }
0x48: {  	[sflag:s12] =	ssyncset.done $0x0  }
0x49: {  	[sflag:s12] =	ssyncadd.s32 $0xFFFFD800  }
0x4a: {  	_ =	sfence.sel $0x180000  }
0x4b: {  	[bflag:$0x0] =	sbarrier.arrive $0xFFFF  }
0x4c: {  	p0 =	sne.s32 s0, $0x0;
	_ =	strace $0x90000050  }
0x4d: {  	s0 =	sadd.s32 @!p0 $0x100000, s1;
	[bflag:$0x2] =	sbarrier.arrive $0xFFFF  }
0x4e: {  	[sflag:s0] =	ssyncadd.tile.s32 @!p0 $0x1;
	_ =	shalt  }
.Lfunc_end2:
_tile_overlayer_lowered:
.L_overlay_start_2:
0x4f: {  	(tag) =	ssettag $0x2  }
0x50: {  	s0 =	rddreg [dreg:$0x0];
	s2 =	stileid.u32  }
0x51: {  	s1 =	rddreg [dreg:$0x1];
	p0 =	sne.s32 s2, $0x0  }
0x52: {  	s3 =	rddreg [dreg:$0x2];
	[bflag:$0x3] =	sbarrier.arrive $0xFFFF;
	s2 =	simm.s32 @!p0 $0x1C01  }
0x53: {  	[timem:s3], [sflag:s2] =	dma.local @!p0 [hbm:s0], s1  }
0x54: {  	s0 =	simm.s32 @!p0 $0x1  }
0x55: {  	_ =	swait.ge @!p0 [sflag:s0], s1  }
0x56: {  	s1 =	ssub.s32 @!p0 $0x0, s1;
	[sflag:s0] =	ssyncset.done @!p0 $0x0  }
0x57: {  	[sflag:s0] =	ssyncadd.s32 @!p0 s1  }
0x58: {  	[bflag:$0x3] =	sbarrier.arrive $0xFFFF  }
0x59: {  	_ =	shalt  }

// kernel: kernel.8.cloned.1.call-start
scs
__scs_entry_jumppad:
0x0: {  	(pc) =	sbr.rel $0x88, $3  }
0x1: {  	(tag) =	ssettag $0x0;
	lr =	simm.s32 $0x1  }
0x2: {  	[smem:$0x3F97] =	sst lr;
	_ =	strace $0xD0000000  }
0x3: {  	_ = 	snop  }
0x4: {  	_ = 	snop  }
0x5: {  	_ = 	snop  }
0x6: {  	_ = 	snop  }
0x7: {  	_ = 	snop  }
__scs_overlays_trampoline_lowered:
0x8: {  	[smem:$0x3FA6] =	sst s0  }
0x9: {  	[smem:$0x3FA7] =	sst s1  }
0xa: {  	[smem:$0x3FA8] =	sst s2  }
0xb: {  	[smem:$0x3FA9] =	sst s3  }
0xc: {  	[smem:$0x3FAA] =	sst s4  }
0xd: {  	[smem:$0x3FAB] =	sst s5  }
0xe: {  	[smem:$0x3FAC] =	sst s6  }
0xf: {  	[smem:$0x3FAD] =	sst s7  }
0x10: {  	[smem:$0x3FAE] =	sst s8  }
0x11: {  	[smem:$0x3FAF] =	sst s9;
	s0 =	simm.s32 @!p0 $0x0  }
0x12: {  	s1 =	sld [smem:$0x3F95];
	s0 =	simm.s32 @p0 $0x1  }
0x13: {  	[smem:$0x3FB0] =	sst s0;
	s0 =	simm.s32 @!p1 $0x0  }
0x14: {  	s2 =	sld [smem:$0x3F94];
	s0 =	simm.s32 @p1 $0x1  }
0x15: {  	[smem:$0x3FB1] =	sst s0;
	s0 =	simm.s32 @!p2 $0x0  }
0x16: {  	s3 =	sld [smem:$0x3FDB];
	s0 =	simm.s32 @p2 $0x1  }
0x17: {  	s4 =	simm.s32 $0x1BF5;
	[smem:$0x3FB3] =	sst s0  }
0x18: {  	s0 =	sld [smem:$0x3F96];
	_ =	swait.ge [sflag:s4], $0x0  }
0x19: {  	s7 =	sld [smem:$0x3F97]  }
0x1a: {  	s8 =	sadd.s32 $0xFFFFE003, lr  }
0x1b: {  	s9 =	sadd.s32 $0xFFFFFEF7, lr;
	s5 =	simm.s32 $0xFFFFFFFF;
	p2 =	slt.u32 s8, $0xFFFFF086  }
0x1c: {  	p1 =	slt.u32 s9, $0xF7A;
	s5 =	simm.s32 @!p2 $0x0  }
0x1d: {  	s5 =	simm.s32 @p1 $0x1;
	p0 =	seq.s32 s7, s2  }
0x1e: {  	s7 =	smul.u32 @!p0 $0xF7A, s2;
	p2 =	seq.s32 @!p0 s5, $0x0  }
0x1f: {  	s9 =	smul.u32 $0xF7A, s1;
	s8 =	simm.s32 @!p0 $0x1BF5;
	p2 =	por !p2, p0  }
0x20: {  	[sflag:s8] =	ssyncset.s32 @!p0 $0xFFFFF086;
	s6 =	sadd.s32 @!p0 s3, s7;
	s7 =	simm.s32 @!p0 $0x108  }
0x21: {  	s3 =	sadd.s32 s3, s9;
	s6 =	sadd.s32 @!p0 $0x88, s6;
	s7 =	simm.s32 @p2 $0x1082  }
0x22: {  	[simem:s7], [sflag:s8] =	dma.local @!p0 [hbm:s6], $0xF7A  }
0x23: {  	s9 =	sor.u32 $0xD0000000, s2;
	s6 =	simm.s32 $0x108;
	_ =	swait.ge @!p0 [sflag:s8], $0x0  }
0x24: {  	s3 =	sadd.s32 $0x88, s3;
	s6 =	simm.s32 @!p1 $0x1082;
	[sflag:s4] =	ssyncset.s32 $0xFFFFF086  }
0x25: {  	[simem:s6], [sflag:s4] =	dma.local [hbm:s3], $0xF7A  }
0x26: {  	[smem:$0x3F97] =	sst s1;
	(tag) =	ssettag s2;
	_ =	strace s9  }
0x27: {  	s1 =	sld [smem:$0x3FA7]  }
0x28: {  	s2 =	sld [smem:$0x3FA8]  }
0x29: {  	s4 =	sld [smem:$0x3FAA]  }
0x2a: {  	p0 =	seq.s32 s5, $0x0;
	s5 =	sld [smem:$0x3FAB]  }
0x2b: {  	s6 =	sld [smem:$0x3FAC]  }
0x2c: {  	s7 =	sld [smem:$0x3FAD]  }
0x2d: {  	s3 =	simm.s32 $0x108;
	s8 =	sld [smem:$0x3FAE]  }
0x2e: {  	s3 =	simm.s32 @!p0 $0x1082;
	s9 =	sld [smem:$0x3FAF]  }
0x2f: {  	lr =	sadd.s32 s0, s3;
	s0 =	sld [smem:$0x3FA6]  }
0x30: {  	s3 =	sld [smem:$0x3FA9]  }
0x31: {  	[smem:$0x3FB2] =	sst s10  }
0x32: {  	s10 =	sld [smem:$0x3FB0];
	_ =	sdelay $0x3  }
0x33: {  	p0 =	seq.s32 s10, $0x1;
	s10 =	sld [smem:$0x3FB2];
	_ =	sdelay $0x3  }
0x34: {  	[smem:$0x3FB2] =	sst s10  }
0x35: {  	s10 =	sld [smem:$0x3FB1];
	_ =	sdelay $0x3  }
0x36: {  	p1 =	seq.s32 s10, $0x1;
	s10 =	sld [smem:$0x3FB2];
	_ =	sdelay $0x3  }
0x37: {  	[smem:$0x3FB2] =	sst s10  }
0x38: {  	s10 =	sld [smem:$0x3FB3]  }
0x39: {  	_ = 	snop;
	(pc) =	sbr.ind lr, $3  }
0x3a: {  	_ = 	snop  }
0x3b: {  	_ = 	snop  }
0x3c: {  	p2 =	seq.s32 s10, $0x1;
	s10 =	sld [smem:$0x3FB2]  }
0x3d: {  	_ =	shalt  }
0x3e: {  	_ =	shalt  }
0x3f: {  	_ =	shalt  }
0x40: {  	_ =	shalt  }
0x41: {  	_ =	shalt  }
0x42: {  	_ =	shalt  }
0x43: {  	_ =	shalt  }
0x44: {  	_ =	shalt  }
0x45: {  	_ =	shalt  }
0x46: {  	_ =	shalt  }
0x47: {  	_ =	shalt  }
0x48: {  	_ =	shalt  }
0x49: {  	_ =	shalt  }
0x4a: {  	_ =	shalt  }
0x4b: {  	_ =	shalt  }
0x4c: {  	_ =	shalt  }
0x4d: {  	_ =	shalt  }
0x4e: {  	_ =	shalt  }
0x4f: {  	_ =	shalt  }
0x50: {  	_ =	shalt  }
0x51: {  	_ =	shalt  }
0x52: {  	_ =	shalt  }
0x53: {  	_ =	shalt  }
0x54: {  	_ =	shalt  }
0x55: {  	_ =	shalt  }
0x56: {  	_ =	shalt  }
0x57: {  	_ =	shalt  }
0x58: {  	_ =	shalt  }
0x59: {  	_ =	shalt  }
0x5a: {  	_ =	shalt  }
0x5b: {  	_ =	shalt  }
0x5c: {  	_ =	shalt  }
0x5d: {  	_ =	shalt  }
0x5e: {  	_ =	shalt  }
0x5f: {  	_ =	shalt  }
0x60: {  	_ =	shalt  }
0x61: {  	_ =	shalt  }
0x62: {  	_ =	shalt  }
0x63: {  	_ =	shalt  }
0x64: {  	_ =	shalt  }
0x65: {  	_ =	shalt  }
0x66: {  	_ =	shalt  }
0x67: {  	_ =	shalt  }
0x68: {  	_ =	shalt  }
0x69: {  	_ =	shalt  }
0x6a: {  	_ =	shalt  }
0x6b: {  	_ =	shalt  }
0x6c: {  	_ =	shalt  }
0x6d: {  	_ =	shalt  }
0x6e: {  	_ =	shalt  }
0x6f: {  	_ =	shalt  }
0x70: {  	_ =	shalt  }
0x71: {  	_ =	shalt  }
0x72: {  	_ =	shalt  }
0x73: {  	_ =	shalt  }
0x74: {  	_ =	shalt  }
0x75: {  	_ =	shalt  }
0x76: {  	_ =	shalt  }
0x77: {  	_ =	shalt  }
0x78: {  	_ =	shalt  }
0x79: {  	_ =	shalt  }
0x7a: {  	_ =	shalt  }
0x7b: {  	_ =	shalt  }
0x7c: {  	_ =	shalt  }
0x7d: {  	_ =	shalt  }
0x7e: {  	_ =	shalt  }
0x7f: {  	_ =	shalt  }
0x80: {  	_ =	shalt  }
0x81: {  	_ =	shalt  }
0x82: {  	_ =	shalt  }
0x83: {  	_ =	shalt  }
0x84: {  	_ =	shalt  }
0x85: {  	_ =	shalt  }
0x86: {  	_ =	shalt  }
0x87: {  	_ =	shalt  }
.Lfunc_end0:
.L_simem_size_0:
called_computation.3_lowered:
.L_overlay_start_0:
0x88: {  	s2 =	sld [smem:$0x3FD9]  }
0x89: {  	s3 =	sld [smem:$0x3FFE];
	_ =	sdelay $0x1  }
0x8a: {  	s1 =	srdreg.scid  }
0x8b: {  	s0 =	sand.u32 $0x1, s1  }
0x8c: {  	s16 =	sshll.u32 s0, $0xA;
	s2 =	sadd.s32 s3, s2  }
0x8d: {  	s2 =	sadd.s32 s2, s16  }
0x8e: {  	[smem:$0x3FBE] =	sst s2  }
0x8f: {  	_ = 	snop  }
0x90: {  	(tm) =	ssettm $0x1  }
0x91: {  	s17 =	sld [smem:$0x3FFB];
	_ =	sdelay $0x3  }
0x92: {  	_ =	strace s17  }
0x93: {  	s2 =	sld [smem:$0x3FFC];
	_ =	sdelay $0x3  }
0x94: {  	_ =	strace s2  }
0x95: {  	s2 =	sld [smem:$0x3FFD];
	_ =	sdelay $0x3  }
0x96: {  	_ =	strace s2  }
0x97: {  	_ =	strace $0x8FFFFFFF  }
0x98: {  	s18 =	sld [smem:$0x3FDB];
	_ =	sdelay $0x1  }
0x99: {  	s19 =	simm.s32 $_scs_section_size  }
0x9a: {  	s4 =	simm.s32 $_size__tile_overlayer_lowered;
	s5 =	simm.s32 $_tile_overlayer_lowered  }
0x9b: {  	s22 =	simm.s32 $0x1BFF;
	s21 =	sshll.u32 s5, $0x1;
	s2 =	sadd.s32 s19, s18  }
0x9c: {  	s6 =	simm.s32 $0x0;
	s20 =	sshll.u32 s4, $0x1;
	s4 =	sadd.s32 s21, s2  }
0x9d: {  	[timem:s6], [sflag:s22] =	dma.local [hbm:s4], s20  }
0x9e: {  	_ =	swait.ge [sflag:s22], s20  }
0x9f: {  	s3 =	ssub.s32 $0x0, s20;
	[sflag:s22] =	ssyncset.done $0x0  }
0xa0: {  	[sflag:s22] =	ssyncadd.s32 s3;
	_ =	sdelay $0x1  }
0xa1: {  	s23 =	simm.s32 $0x1B8B  }
0xa2: {  	_ =	swait.ge [sflag:s23], $0x1  }
0xa3: {  	[sflag:s23] =	ssyncset.done $0x0  }
0xa4: {  	s25 =	simm.s32 $0x1B8E;
	s24 =	sld [smem:$0x3FFE];
	[sflag:s23] =	ssyncadd.s32 $0xFFFFFFFF  }
0xa5: {  	s26 =	simm.s32 $execute0_lowered;
	[smem:$0x3FD2] =	sst s25  }
0xa6: {  	s4 =	sshll.u32 s26, $0x1;
	_ =	strace $0x80000052;
	[dreg:$0x1] =	wrdreg $0xFFFFFFFF  }
0xa7: {  	s28 =	simm.s32 $_size_execute0_lowered;
	s2 =	sadd.s32 s2, s4;
	[dreg:$0x0] =	wrdreg $0x0  }
0xa8: {  	s4 =	sshll.u32 s28, $0x1;
	[dreg:$0x2] =	wrdreg s2  }
0xa9: {  	[dreg:$0x3] =	wrdreg s4  }
0xaa: {  	[dreg:$0x4] =	wrdreg $0xC0  }
0xab: {  	_ =	task [dreg:s6], $0x5FFFF  }
0xac: {  	[dreg:$0x1] =	wrdreg $0xFFFFFFFF  }
0xad: {  	[dreg:$0x0] =	wrdreg $0x60  }
0xae: {  	[dreg:$0x2] =	wrdreg s24  }
0xaf: {  	[dreg:$0x3] =	wrdreg $0x0  }
0xb0: {  	[dreg:$0x4] =	wrdreg $0x9  }
0xb1: {  	_ =	task.clear_ibuf [dreg:s6], $0x5FFFF;
	_ =	strace $0x90000052  }
0xb2: {  	s29 =	simm.s32 $0x9;
	_ =	strace $0x80000054  }
0xb3: {  	_ =	swait.ge [sflag:s29], $0x1  }
0xb4: {  	[sflag:s29] =	ssyncadd.s32 $0xFFFFFFFF  }
0xb5: {  	_ =	strace $0x90000054  }
0xb6: {  	_ =	sfence  }
0xb7: {  	s30 =	sld [smem:$0x0];
	_ =	sdelay $0x2  }
0xb8: {  	s31 =	sshll.u32 s1, $0xD;
	s1 =	sshrl.u32 s1, $0x2  }
0xb9: {  	s3 =	sand.u32 $0x4000, s31;
	s1 =	sadd.s32 s1, s30  }
0xba: {  	s0 =	sor.u32 s3, s0;
	s1 =	sshll.u32 s1, $0x11  }
0xbb: {  	s0 =	sor.u32 s1, s0  }
0xbc: {  	s0 =	sadd.s32 $0x8F2B, s0  }
0xbd: {  	[sflag:s0] =	ssyncadd.remote.s32 $0x1  }
0xbe: {  	_ =	sfence.sel $0xFFFF  }
0xbf: {  	[dreg:$0x0] =	wrdreg $0xFFFFFFFF;
	(pc) =	sbr.abs _section_cstart, $3  }
0xc0: {  	[dreg:$0x1] =	wrdreg $0xFFFFFFFF  }
0xc1: {  	_ =	task.clear_ibuf [dreg:s6], $0x2FFFF;
	_ =	strace $0x9FFFFFFF  }
0xc2: {  	(tm) =	ssettm $0x7FFFFFFF  }
0xc3: {  	_ =	shalt  }
tec
execute0_lowered:
.L_overlay_start_1:
0x0: {  	(tag) =	ssettag $0x1  }
0x1: {  	s1 =	srdreg.scid;
	s5 =	rddreg [dreg:$0x0]  }
0x2: {  	s0 =	stileid.u32;
	s2 =	rddreg [dreg:$0x1];
	s3 =	simm.s32 $0x0  }
0x3: {  	s13 =	simm.s32 $0x14080;
	s14 =	simm.s32 $0x14000;
	s4 =	smul.u32 $0x4E20, s0  }
0x4: {  	s15 =	simm.s32 $0x50;
	s16 =	simm.s32 $0x14100;
	s8 =	smul.u32 $0x14000, s0  }
0x5: {  	s6 =	sand.u32 $0x1, s1;
	s1 =	rddreg [dreg:$0x2];
	s10 =	smul.u32 $0x50000, s0  }
0x6: {  	s17 =	simm.s32 $0x0;
	[smem:$0x7FF] =	sst s3;
	s7 =	smul.u32 $0x2710, s6  }
0x7: {  	s31 =	sshll.u32 s0, $0x6;
	s9 =	smul.u32 $0x140000, s6;
	s6 =	ssub.s32 $0x2, s6  }
0x8: {  	_ =	strace $0x80000053;
	s26 =	sshrl.u32 s6, $0x1;
	s29 =	sshrl.u32 s10, $0x2  }
0x9: {  	s30 =	sshrl.u32 s8, $0x3;
	s7 =	sadd.s32 s7, s4;
	s4 =	sadd.s32 $0x32600, s5  }
0xa: {  	s9 =	sadd.s32 s8, s9;
	s28 =	ssub.s32 s6, s26;
	s12 =	sadd.s32 s29, s2  }
0xb: {  	s6 =	sor.u32 $0x1C01, s31;
	s7 =	sshrl.u32 s7, $0x3;
	s9 =	sshrl.u32 s9, $0x3  }
0xc: {  	s8 =	smax.u32 s28, $0x1;
	s11 =	sadd.s32 s7, s5;
	s25 =	sadd.s32 s9, s5  }
0xd: {  	s5 =	sadd.s32 s4, s30;
	s7 =	sadd.s32 $0x5A600, s25;
	s9 =	sadd.s32 $0x28800, s11  }
0xe: {  	s10 =	sadd.s32 $0x1EA00, s11;
	s11 =	sshrl.u32 s12, $0x3;
	s12 =	simm.s32 $0x1  }
.LBB2_1:
0xf: {  	[spmem:s11], [sflag:s6] =	dma.local [hbm:s5], $0x2800  }
0x10: {  	_ =	swait.ge [sflag:s12], $0x2800  }
0x11: {  	[sflag:s12] =	ssyncset.done $0x0  }
0x12: {  	[sflag:s12] =	ssyncadd.s32 $0xFFFFD800  }
0x13: {  	s18 =	sadd.s32 $0x0, s10;
	[bflag:$0x0] =	sbarrier.arrive $0xFFFF  }
0x14: {  	[tilespmem:s13], [sflag:$0x1] =	stream.linear.gather [hbm4b:s18+s3], $0x50, $0x38;
	[tilespmem:$0x16900] =	vst v63  }
0x15: {  	_ =	swait.ge [sflag:s12], $0x50  }
0x16: {  	[sflag:s12] =	ssyncset.done $0x0  }
0x17: {  	s31 =	sadd.s32 $0x0, s9;
	[sflag:s12] =	ssyncadd.s32 $0xFFFFFFB0  }
0x18: {  	[tilespmem:s14], [sflag:$0x1] =	stream.linear.gather [hbm4b:s31+s3], $0x50, $0x38;
	[tilespmem:$0x16900] =	vst v63  }
0x19: {  	_ =	swait.ge [sflag:s12], $0x50  }
0x1a: {  	[sflag:s12] =	ssyncset.done $0x0  }
0x1b: {  	[sflag:s12] =	ssyncadd.s32 $0xFFFFFFB0  }
0x1c: {  	[tilespmem:s16], [sflag:$0x1] =	stream.indirect.gather [hbm4b:s4+s15], $0x80, s13, s15, $0xb8;
	[tilespmem:$0x16900] =	vst v63  }
0x1d: {  	_ =	swait.ge [sflag:s12], $0x2800  }
0x1e: {  	[sflag:s12] =	ssyncset.done $0x0  }
0x1f: {  	[sflag:s12] =	ssyncadd.s32 $0xFFFFD800  }
0x20: {  	[spmem:s2] =	stream.indirect.scatter.add.f32 [tilespmem:s16], [sflag:$0x1], $0x80, s14, s15, $0xb8;
	[tilespmem:$0x16900] =	vst v63  }
0x21: {  	_ =	swait.ge [sflag:s12], $0x2800  }
0x22: {  	s19 =	simm.s32 $0x14;
	s18 =	simm.s32 $0xA;
	[sflag:s12] =	ssyncset.done $0x0  }
.LBB2_2:
0x23: {  	s20 =	sadd.s32 s18, s10  }
0x24: {  	[sflag:s12] =	ssyncadd.s32 $0xFFFFD800;
	s21 =	smov.u32 s19;
	s22 =	sadd.s32 $0xA, s19  }
0x25: {  	[tilespmem:s13], [sflag:$0x1] =	stream.linear.gather [hbm4b:s20+s3], $0x50, $0x38;
	[tilespmem:$0x16900] =	vst v63  }
0x26: {  	p0 =	sne.s32 s19, $0x4D8;
	_ =	swait.ge [sflag:s12], $0x50  }
0x27: {  	[sflag:s12] =	ssyncset.done $0x0  }
0x28: {  	s19 =	sadd.s32 s18, s9;
	s18 =	smov.u32 s21;
	[sflag:s12] =	ssyncadd.s32 $0xFFFFFFB0  }
0x29: {  	[tilespmem:s14], [sflag:$0x1] =	stream.linear.gather [hbm4b:s19+s3], $0x50, $0x38;
	[tilespmem:$0x16900] =	vst v63  }
0x2a: {  	_ =	swait.ge [sflag:s12], $0x50  }
0x2b: {  	[sflag:s12] =	ssyncset.done $0x0  }
0x2c: {  	[sflag:s12] =	ssyncadd.s32 $0xFFFFFFB0  }
0x2d: {  	[tilespmem:s16], [sflag:$0x1] =	stream.indirect.gather [hbm4b:s4+s15], $0x80, s13, s15, $0xb8;
	[tilespmem:$0x16900] =	vst v63  }
0x2e: {  	_ =	swait.ge [sflag:s12], $0x2800  }
.Ltmp0:
0x2f: {  	[sflag:s12] =	ssyncset.done $0x0;
	(pc) =	sbr.rel @p0 .LBB2_2-.Ltmp0, $4  }
0x30: {  	[sflag:s12] =	ssyncadd.s32 $0xFFFFD800  }
0x31: {  	[spmem:s2] =	stream.indirect.scatter.add.f32 [tilespmem:s16], [sflag:$0x1], $0x80, s14, s15, $0xb8;
	[tilespmem:$0x16900] =	vst v63  }
0x32: {  	_ =	swait.ge [sflag:s12], $0x2800  }
0x33: {  	s19 =	smov.u32 s22;
	[sflag:s12] =	ssyncset.done $0x0  }
0x34: {  	s19 =	sadd.s32 s18, s10;
	[sflag:s12] =	ssyncadd.s32 $0xFFFFD800  }
0x35: {  	[tilespmem:s13], [sflag:$0x1] =	stream.linear.gather [hbm4b:s19+s3], $0x50, $0x38;
	[tilespmem:$0x16900] =	vst v63  }
0x36: {  	_ =	swait.ge [sflag:s12], $0x50  }
0x37: {  	[sflag:s12] =	ssyncset.done $0x0  }
0x38: {  	s31 =	sadd.s32 s18, s9;
	[sflag:s12] =	ssyncadd.s32 $0xFFFFFFB0  }
0x39: {  	[tilespmem:s14], [sflag:$0x1] =	stream.linear.gather [hbm4b:s31+s3], $0x50, $0x38;
	[tilespmem:$0x16900] =	vst v63  }
0x3a: {  	_ =	swait.ge [sflag:s12], $0x50  }
0x3b: {  	[sflag:s12] =	ssyncset.done $0x0  }
0x3c: {  	[sflag:s12] =	ssyncadd.s32 $0xFFFFFFB0  }
0x3d: {  	[tilespmem:s16], [sflag:$0x1] =	stream.indirect.gather [hbm4b:s4+s15], $0x80, s13, s15, $0xb8;
	[tilespmem:$0x16900] =	vst v63  }
0x3e: {  	_ =	swait.ge [sflag:s12], $0x2800  }
0x3f: {  	[sflag:s12] =	ssyncset.done $0x0  }
0x40: {  	[sflag:s12] =	ssyncadd.s32 $0xFFFFD800  }
0x41: {  	[spmem:s2] =	stream.indirect.scatter.add.f32 [tilespmem:s16], [sflag:$0x1], $0x80, s14, s15, $0xb8;
	[tilespmem:$0x16900] =	vst v63  }
0x42: {  	_ =	swait.ge [sflag:s12], $0x2800  }
0x43: {  	s17 =	sadd.s32 $0x1, s17;
	[sflag:s12] =	ssyncset.done $0x0  }
0x44: {  	p0 =	sne.s32 s17, s8;
	[sflag:s12] =	ssyncadd.s32 $0xFFFFD800  }
.Ltmp1:
0x45: {  	[bflag:$0x0] =	sbarrier.arrive $0xFFFF;
	(pc) =	sbr.rel @p0 .LBB2_1-.Ltmp1, $4  }
0x46: {  	[hbm:s7], [sflag:s6] =	dma.local [spmem:s11], $0x2800  }
0x47: {  	_ =	swait.ge [sflag:s12], $0x2800  }
0x48: {  	[sflag:s12] =	ssyncset.done $0x0  }
0x49: {  	[sflag:s12] =	ssyncadd.s32 $0xFFFFD800  }
0x4a: {  	_ =	sfence.sel $0x180000  }
0x4b: {  	[bflag:$0x0] =	sbarrier.arrive $0xFFFF  }
0x4c: {  	p0 =	sne.s32 s0, $0x0;
	_ =	strace $0x90000053  }
0x4d: {  	s0 =	sadd.s32 @!p0 $0x100000, s1;
	[bflag:$0x2] =	sbarrier.arrive $0xFFFF  }
0x4e: {  	[sflag:s0] =	ssyncadd.tile.s32 @!p0 $0x1;
	_ =	shalt  }
.Lfunc_end2:
_tile_overlayer_lowered:
.L_overlay_start_2:
0x4f: {  	(tag) =	ssettag $0x2  }
0x50: {  	s0 =	rddreg [dreg:$0x0];
	s2 =	stileid.u32  }
0x51: {  	s1 =	rddreg [dreg:$0x1];
	p0 =	sne.s32 s2, $0x0  }
0x52: {  	s3 =	rddreg [dreg:$0x2];
	[bflag:$0x3] =	sbarrier.arrive $0xFFFF;
	s2 =	simm.s32 @!p0 $0x1C01  }
0x53: {  	[timem:s3], [sflag:s2] =	dma.local @!p0 [hbm:s0], s1  }
0x54: {  	s0 =	simm.s32 @!p0 $0x1  }
0x55: {  	_ =	swait.ge @!p0 [sflag:s0], s1  }
0x56: {  	s1 =	ssub.s32 @!p0 $0x0, s1;
	[sflag:s0] =	ssyncset.done @!p0 $0x0  }
0x57: {  	[sflag:s0] =	ssyncadd.s32 @!p0 s1  }
0x58: {  	[bflag:$0x3] =	sbarrier.arrive $0xFFFF  }
0x59: {  	_ =	shalt  }

// kernel: scatter_offload_async_start.1
scs
__scs_entry_jumppad:
0x0: {  	(pc) =	sbr.rel $0x88, $3  }
0x1: {  	(tag) =	ssettag $0x0;
	lr =	simm.s32 $0x1  }
0x2: {  	[smem:$0x3F97] =	sst lr;
	_ =	strace $0xD0000000  }
0x3: {  	_ = 	snop  }
0x4: {  	_ = 	snop  }
0x5: {  	_ = 	snop  }
0x6: {  	_ = 	snop  }
0x7: {  	_ = 	snop  }
__scs_overlays_trampoline_lowered:
0x8: {  	[smem:$0x3FA6] =	sst s0  }
0x9: {  	[smem:$0x3FA7] =	sst s1  }
0xa: {  	[smem:$0x3FA8] =	sst s2  }
0xb: {  	[smem:$0x3FA9] =	sst s3  }
0xc: {  	[smem:$0x3FAA] =	sst s4  }
0xd: {  	[smem:$0x3FAB] =	sst s5  }
0xe: {  	[smem:$0x3FAC] =	sst s6  }
0xf: {  	[smem:$0x3FAD] =	sst s7  }
0x10: {  	[smem:$0x3FAE] =	sst s8  }
0x11: {  	[smem:$0x3FAF] =	sst s9;
	s0 =	simm.s32 @!p0 $0x0  }
0x12: {  	s1 =	sld [smem:$0x3F95];
	s0 =	simm.s32 @p0 $0x1  }
0x13: {  	[smem:$0x3FB0] =	sst s0;
	s0 =	simm.s32 @!p1 $0x0  }
0x14: {  	s2 =	sld [smem:$0x3F94];
	s0 =	simm.s32 @p1 $0x1  }
0x15: {  	[smem:$0x3FB1] =	sst s0;
	s0 =	simm.s32 @!p2 $0x0  }
0x16: {  	s3 =	sld [smem:$0x3FDB];
	s0 =	simm.s32 @p2 $0x1  }
0x17: {  	s4 =	simm.s32 $0x1BF5;
	[smem:$0x3FB3] =	sst s0  }
0x18: {  	s0 =	sld [smem:$0x3F96];
	_ =	swait.ge [sflag:s4], $0x0  }
0x19: {  	s7 =	sld [smem:$0x3F97]  }
0x1a: {  	s8 =	sadd.s32 $0xFFFFE003, lr  }
0x1b: {  	s9 =	sadd.s32 $0xFFFFFEF7, lr;
	s5 =	simm.s32 $0xFFFFFFFF;
	p2 =	slt.u32 s8, $0xFFFFF086  }
0x1c: {  	p1 =	slt.u32 s9, $0xF7A;
	s5 =	simm.s32 @!p2 $0x0  }
0x1d: {  	s5 =	simm.s32 @p1 $0x1;
	p0 =	seq.s32 s7, s2  }
0x1e: {  	s7 =	smul.u32 @!p0 $0xF7A, s2;
	p2 =	seq.s32 @!p0 s5, $0x0  }
0x1f: {  	s9 =	smul.u32 $0xF7A, s1;
	s8 =	simm.s32 @!p0 $0x1BF5;
	p2 =	por !p2, p0  }
0x20: {  	[sflag:s8] =	ssyncset.s32 @!p0 $0xFFFFF086;
	s6 =	sadd.s32 @!p0 s3, s7;
	s7 =	simm.s32 @!p0 $0x108  }
0x21: {  	s3 =	sadd.s32 s3, s9;
	s6 =	sadd.s32 @!p0 $0x88, s6;
	s7 =	simm.s32 @p2 $0x1082  }
0x22: {  	[simem:s7], [sflag:s8] =	dma.local @!p0 [hbm:s6], $0xF7A  }
0x23: {  	s9 =	sor.u32 $0xD0000000, s2;
	s6 =	simm.s32 $0x108;
	_ =	swait.ge @!p0 [sflag:s8], $0x0  }
0x24: {  	s3 =	sadd.s32 $0x88, s3;
	s6 =	simm.s32 @!p1 $0x1082;
	[sflag:s4] =	ssyncset.s32 $0xFFFFF086  }
0x25: {  	[simem:s6], [sflag:s4] =	dma.local [hbm:s3], $0xF7A  }
0x26: {  	[smem:$0x3F97] =	sst s1;
	(tag) =	ssettag s2;
	_ =	strace s9  }
0x27: {  	s1 =	sld [smem:$0x3FA7]  }
0x28: {  	s2 =	sld [smem:$0x3FA8]  }
0x29: {  	s4 =	sld [smem:$0x3FAA]  }
0x2a: {  	p0 =	seq.s32 s5, $0x0;
	s5 =	sld [smem:$0x3FAB]  }
0x2b: {  	s6 =	sld [smem:$0x3FAC]  }
0x2c: {  	s7 =	sld [smem:$0x3FAD]  }
0x2d: {  	s3 =	simm.s32 $0x108;
	s8 =	sld [smem:$0x3FAE]  }
0x2e: {  	s3 =	simm.s32 @!p0 $0x1082;
	s9 =	sld [smem:$0x3FAF]  }
0x2f: {  	lr =	sadd.s32 s0, s3;
	s0 =	sld [smem:$0x3FA6]  }
0x30: {  	s3 =	sld [smem:$0x3FA9]  }
0x31: {  	[smem:$0x3FB2] =	sst s10  }
0x32: {  	s10 =	sld [smem:$0x3FB0];
	_ =	sdelay $0x3  }
0x33: {  	p0 =	seq.s32 s10, $0x1;
	s10 =	sld [smem:$0x3FB2];
	_ =	sdelay $0x3  }
0x34: {  	[smem:$0x3FB2] =	sst s10  }
0x35: {  	s10 =	sld [smem:$0x3FB1];
	_ =	sdelay $0x3  }
0x36: {  	p1 =	seq.s32 s10, $0x1;
	s10 =	sld [smem:$0x3FB2];
	_ =	sdelay $0x3  }
0x37: {  	[smem:$0x3FB2] =	sst s10  }
0x38: {  	s10 =	sld [smem:$0x3FB3]  }
0x39: {  	_ = 	snop;
	(pc) =	sbr.ind lr, $3  }
0x3a: {  	_ = 	snop  }
0x3b: {  	_ = 	snop  }
0x3c: {  	p2 =	seq.s32 s10, $0x1;
	s10 =	sld [smem:$0x3FB2]  }
0x3d: {  	_ =	shalt  }
0x3e: {  	_ =	shalt  }
0x3f: {  	_ =	shalt  }
0x40: {  	_ =	shalt  }
0x41: {  	_ =	shalt  }
0x42: {  	_ =	shalt  }
0x43: {  	_ =	shalt  }
0x44: {  	_ =	shalt  }
0x45: {  	_ =	shalt  }
0x46: {  	_ =	shalt  }
0x47: {  	_ =	shalt  }
0x48: {  	_ =	shalt  }
0x49: {  	_ =	shalt  }
0x4a: {  	_ =	shalt  }
0x4b: {  	_ =	shalt  }
0x4c: {  	_ =	shalt  }
0x4d: {  	_ =	shalt  }
0x4e: {  	_ =	shalt  }
0x4f: {  	_ =	shalt  }
0x50: {  	_ =	shalt  }
0x51: {  	_ =	shalt  }
0x52: {  	_ =	shalt  }
0x53: {  	_ =	shalt  }
0x54: {  	_ =	shalt  }
0x55: {  	_ =	shalt  }
0x56: {  	_ =	shalt  }
0x57: {  	_ =	shalt  }
0x58: {  	_ =	shalt  }
0x59: {  	_ =	shalt  }
0x5a: {  	_ =	shalt  }
0x5b: {  	_ =	shalt  }
0x5c: {  	_ =	shalt  }
0x5d: {  	_ =	shalt  }
0x5e: {  	_ =	shalt  }
0x5f: {  	_ =	shalt  }
0x60: {  	_ =	shalt  }
0x61: {  	_ =	shalt  }
0x62: {  	_ =	shalt  }
0x63: {  	_ =	shalt  }
0x64: {  	_ =	shalt  }
0x65: {  	_ =	shalt  }
0x66: {  	_ =	shalt  }
0x67: {  	_ =	shalt  }
0x68: {  	_ =	shalt  }
0x69: {  	_ =	shalt  }
0x6a: {  	_ =	shalt  }
0x6b: {  	_ =	shalt  }
0x6c: {  	_ =	shalt  }
0x6d: {  	_ =	shalt  }
0x6e: {  	_ =	shalt  }
0x6f: {  	_ =	shalt  }
0x70: {  	_ =	shalt  }
0x71: {  	_ =	shalt  }
0x72: {  	_ =	shalt  }
0x73: {  	_ =	shalt  }
0x74: {  	_ =	shalt  }
0x75: {  	_ =	shalt  }
0x76: {  	_ =	shalt  }
0x77: {  	_ =	shalt  }
0x78: {  	_ =	shalt  }
0x79: {  	_ =	shalt  }
0x7a: {  	_ =	shalt  }
0x7b: {  	_ =	shalt  }
0x7c: {  	_ =	shalt  }
0x7d: {  	_ =	shalt  }
0x7e: {  	_ =	shalt  }
0x7f: {  	_ =	shalt  }
0x80: {  	_ =	shalt  }
0x81: {  	_ =	shalt  }
0x82: {  	_ =	shalt  }
0x83: {  	_ =	shalt  }
0x84: {  	_ =	shalt  }
0x85: {  	_ =	shalt  }
0x86: {  	_ =	shalt  }
0x87: {  	_ =	shalt  }
.Lfunc_end0:
.L_simem_size_0:
called_computation.1_lowered:
.L_overlay_start_0:
0x88: {  	s0 =	sld [smem:$0x3FD9]  }
0x89: {  	s1 =	sld [smem:$0x3FFE];
	_ =	sdelay $0x3  }
0x8a: {  	s0 =	sadd.s32 s1, s0  }
0x8b: {  	[smem:$0x3FBE] =	sst s0  }
0x8c: {  	_ = 	snop  }
0x8d: {  	(tm) =	ssettm $0x1  }
0x8e: {  	s14 =	sld [smem:$0x3FFB];
	_ =	sdelay $0x3  }
0x8f: {  	_ =	strace s14  }
0x90: {  	s0 =	sld [smem:$0x3FFC];
	_ =	sdelay $0x3  }
0x91: {  	_ =	strace s0  }
0x92: {  	s0 =	sld [smem:$0x3FFD];
	_ =	sdelay $0x3  }
0x93: {  	_ =	strace s0  }
0x94: {  	_ =	strace $0x8FFFFFFF  }
0x95: {  	s15 =	sld [smem:$0x3FDB];
	_ =	sdelay $0x1  }
0x96: {  	s16 =	simm.s32 $_scs_section_size  }
0x97: {  	s2 =	simm.s32 $_size__tile_overlayer_lowered;
	s3 =	simm.s32 $_tile_overlayer_lowered  }
0x98: {  	s4 =	simm.s32 $0x1BFF;
	s17 =	sshll.u32 s3, $0x1;
	s1 =	sadd.s32 s16, s15  }
0x99: {  	s18 =	simm.s32 $0x0;
	s2 =	sshll.u32 s2, $0x1;
	s3 =	sadd.s32 s17, s1  }
0x9a: {  	[timem:s18], [sflag:s4] =	dma.local [hbm:s3], s2  }
0x9b: {  	_ =	swait.ge [sflag:s4], s2  }
0x9c: {  	s2 =	ssub.s32 $0x0, s2;
	[sflag:s4] =	ssyncset.done $0x0  }
0x9d: {  	[sflag:s4] =	ssyncadd.s32 s2;
	_ =	sdelay $0x1  }
0x9e: {  	s19 =	simm.s32 $0x1B8B  }
0x9f: {  	_ =	swait.ge [sflag:s19], $0x1  }
0xa0: {  	[sflag:s19] =	ssyncset.done $0x0  }
0xa1: {  	s21 =	simm.s32 $0x1B8E;
	s20 =	sld [smem:$0x3FFE];
	[sflag:s19] =	ssyncadd.s32 $0xFFFFFFFF  }
0xa2: {  	s22 =	simm.s32 $execute0_lowered;
	[smem:$0x3FD2] =	sst s21  }
0xa3: {  	s3 =	sshll.u32 s22, $0x1;
	_ =	strace $0x80000046;
	[dreg:$0x1] =	wrdreg $0xFFFFFFFF  }
0xa4: {  	s23 =	simm.s32 $_size_execute0_lowered;
	s3 =	sadd.s32 s1, s3;
	[dreg:$0x0] =	wrdreg $0x0  }
0xa5: {  	s4 =	sshll.u32 s23, $0x1;
	[dreg:$0x2] =	wrdreg s3  }
0xa6: {  	[dreg:$0x3] =	wrdreg s4  }
0xa7: {  	[dreg:$0x4] =	wrdreg $0xC0  }
0xa8: {  	s24 =	simm.s32 $execute1_lowered;
	_ =	task [dreg:s18], $0x5FFFF  }
0xa9: {  	s3 =	sshll.u32 s24, $0x1;
	[dreg:$0x1] =	wrdreg $0xFFFFFFFF  }
0xaa: {  	s1 =	sadd.s32 s1, s3;
	[dreg:$0x0] =	wrdreg $0x60  }
0xab: {  	[dreg:$0x2] =	wrdreg s1  }
0xac: {  	[dreg:$0x3] =	wrdreg s20  }
0xad: {  	[dreg:$0x4] =	wrdreg $0x9  }
0xae: {  	_ =	task.clear_ibuf [dreg:s18], $0x5FFFF;
	_ =	strace $0x90000046  }
0xaf: {  	s25 =	simm.s32 $0x9;
	_ =	strace $0x80000048  }
0xb0: {  	_ =	swait.ge [sflag:s25], $0x1  }
0xb1: {  	[sflag:s25] =	ssyncadd.s32 $0xFFFFFFFF  }
0xb2: {  	_ =	strace $0x90000048  }
0xb3: {  	_ =	strace $0x80000049;
	[dreg:$0x1] =	wrdreg $0xFFFFFFFF  }
0xb4: {  	[dreg:$0x0] =	wrdreg $0x2030  }
0xb5: {  	[dreg:$0x2] =	wrdreg s20  }
0xb6: {  	[dreg:$0x3] =	wrdreg $0xA  }
0xb7: {  	_ =	task.clear_ibuf [dreg:s18], $0x4FFFF;
	_ =	strace $0x90000049  }
0xb8: {  	s26 =	simm.s32 $0xA;
	_ =	strace $0x8000004B  }
0xb9: {  	_ =	swait.ge [sflag:s26], $0x1  }
0xba: {  	[sflag:s26] =	ssyncadd.s32 $0xFFFFFFFF  }
0xbb: {  	_ =	strace $0x9000004B  }
0xbc: {  	_ =	sfence  }
0xbd: {  	s28 =	sld [smem:$0x0];
	_ =	sdelay $0x1  }
0xbe: {  	s29 =	srdreg.scid  }
0xbf: {  	s30 =	sshll.u32 s29, $0xD;
	s31 =	sshrl.u32 s29, $0x2  }
0xc0: {  	s2 =	sand.u32 $0x1, s29;
	s3 =	sand.u32 $0x4000, s30;
	s1 =	sadd.s32 s31, s28  }
0xc1: {  	s2 =	sor.u32 s3, s2;
	s1 =	sshll.u32 s1, $0x11  }
0xc2: {  	s1 =	sor.u32 s1, s2  }
0xc3: {  	s1 =	sadd.s32 $0x8F2B, s1  }
0xc4: {  	[sflag:s1] =	ssyncadd.remote.s32 $0x1  }
0xc5: {  	_ =	sfence.sel $0xFFFF  }
0xc6: {  	[dreg:$0x0] =	wrdreg $0xFFFFFFFF;
	(pc) =	sbr.abs _section_cstart, $3  }
0xc7: {  	[dreg:$0x1] =	wrdreg $0xFFFFFFFF  }
0xc8: {  	_ =	task.clear_ibuf [dreg:s18], $0x2FFFF;
	_ =	strace $0x9FFFFFFF  }
0xc9: {  	(tm) =	ssettm $0x7FFFFFFF  }
tec
execute0_lowered:
.L_overlay_start_1:
0x0: {  	(tag) =	ssettag $0x1  }
0x1: {  	s2 =	rddreg [dreg:$0x0]  }
0x2: {  	s4 =	rddreg [dreg:$0x1]  }
0x3: {  	s0 =	rddreg [dreg:$0x2];
	s3 =	stileid.u32  }
0x4: {  	[bflag:$0x3] =	sbarrier.arrive $0xFFFF;
	s1 =	simm.s32 $_size_execute1_lowered;
	p0 =	sne.s32 s3, $0x0  }
0x5: {  	s1 =	sshll.u32 s1, $0x1;
	s5 =	simm.s32 @!p0 $0x1C3F;
	s6 =	simm.s32 @!p0 $0x4060  }
0x6: {  	[timem:s6], [sflag:s5] =	dma.local @!p0 [hbm:s2], s1  }
0x7: {  	s2 =	smul.u32 $0x280, s3  }
.Ltmp0:
0x8: {  	s31 =	simm.s32 $0x2;
	s7 =	simm.s32 $0x280;
	(pc) =	sbr.rel .LBB2_1-.Ltmp0, $4  }
0x9: {  	s8 =	simm.s32 $0x780;
	s10 =	simm.s32 $0x0;
	s9 =	simm.s32 $0x0  }
0xa: {  	s3 =	simm.s32 $0x1;
	_ =	strace $0x80000047;
	s30 =	sshrl.u32 s2, $0x3  }
0xb: {  	s6 =	simm.s32 $0x0;
	[sflag:s3] =	ssyncpa.u1 $0x0;
	s5 =	sadd.s32 s30, s4  }
0xc: {  	s4 =	sadd.s32 $0x1E400, s4;
	[sflag:s31] =	ssyncpa.u1 $0x0;
	s5 =	sadd.s32 $0x1DE00, s5  }
.LBB2_8:
0xd: {  	p1 =	seq.s32 s9, $0x2  }
.Ltmp1:
0xe: {  	_ = 	snop;
	(pc) =	sbr.rel @p1 .LBB2_10-.Ltmp1, $1  }
0xf: {  	_ =	sdelay $0x3  }
.LBB2_9:
0x10: {  	s9 =	sadd.s32 $0x1, s9;
	s10 =	smov.u32 s2  }
.LBB2_1:
0x11: {  	p1 =	sne.s32 s9, $0x0  }
.Ltmp2:
0x12: {  	_ = 	snop;
	(pc) =	sbr.rel @!p1 .LBB2_2-.Ltmp2, $1  }
0x13: {  	_ =	sdelay $0x3  }
0x14: {  	s11 =	sand.u32 $0x1, s9  }
0x15: {  	p1 =	seq.s32 s11, $0x0  }
.Ltmp3:
0x16: {  	_ = 	snop;
	(pc) =	sbr.rel @p1 .LBB2_8-.Ltmp3, $1  }
0x17: {  	_ =	sdelay $0x3  }
0x18: {  	_ =	swait.ge [sflag:s3], $0x280  }
0x19: {  	[sflag:s3] =	ssyncset.done $0x0  }
0x1a: {  	s11 =	simm.s32 $0x0;
	p1 =	por $0x1, $0x1;
	[sflag:s3] =	ssyncadd.s32 $0xFFFFFD80  }
.LBB2_5:
0x1b: {  	v0 =	vld [tilespmem:s11+$0x280]  }
0x1c: {  	v1 =	vld [tilespmem:s11+$0x290]  }
0x1d: {  	v2 =	vld [tilespmem:s11+$0x2A0]  }
0x1e: {  	v3 =	vld [tilespmem:s11+$0x2B0]  }
0x1f: {  	v4 =	vld [tilespmem:s11+$0x2C0]  }
0x20: {  	v53 =	vld [tilespmem:s11+$0x2D0];
	[tilespmem:s11+$0x780] =	vst v0  }
0x21: {  	v54 =	vld [tilespmem:s11+$0x2E0];
	[tilespmem:s11+$0x790] =	vst v1  }
0x22: {  	v55 =	vld [tilespmem:s11+$0x2F0];
	[tilespmem:s11+$0x7A0] =	vst v2  }
0x23: {  	v56 =	vld [tilespmem:s11+$0x300];
	[tilespmem:s11+$0x7B0] =	vst v3  }
0x24: {  	v57 =	vld [tilespmem:s11+$0x310];
	[tilespmem:s11+$0x7C0] =	vst v4  }
0x25: {  	v58 =	vld [tilespmem:s11+$0x320];
	[tilespmem:s11+$0x7D0] =	vst v53  }
0x26: {  	v59 =	vld [tilespmem:s11+$0x330];
	[tilespmem:s11+$0x7E0] =	vst v54  }
0x27: {  	v60 =	vld [tilespmem:s11+$0x340];
	[tilespmem:s11+$0x7F0] =	vst v55  }
0x28: {  	v61 =	vld [tilespmem:s11+$0x350];
	[tilespmem:s11+$0x800] =	vst v56  }
0x29: {  	v62 =	vld [tilespmem:s11+$0x360];
	[tilespmem:s11+$0x810] =	vst v57  }
0x2a: {  	v63 =	vld [tilespmem:s11+$0x370];
	p2 =	por p1, p1;
	[tilespmem:s11+$0x820] =	vst v58  }
.Ltmp4:
0x2b: {  	[tilespmem:s11+$0x830] =	vst v59;
	(pc) =	sbr.rel @p2 .LBB2_5-.Ltmp4, $4  }
0x2c: {  	[tilespmem:s11+$0x840] =	vst v60  }
0x2d: {  	[tilespmem:s11+$0x850] =	vst v61  }
0x2e: {  	s12 =	simm.s32 $0x1F0;
	s13 =	simm.s32 $0x980;
	[tilespmem:s11+$0x860] =	vst v62  }
0x2f: {  	s14 =	simm.s32 $0x480;
	p1 =	por $0x0, $0x0;
	[tilespmem:s11+$0x870] =	vst v63;
	s11 =	simm.s32 $0x100  }
.LBB2_6:
0x30: {  	s12 =	sadd.s32 $0x10, s12  }
0x31: {  	v0 =	vld [tilespmem:s14+$0x0];
	p1 =	slt.u32 s12, $0x270  }
.Ltmp5:
0x32: {  	_ = 	snop;
	(pc) =	sbr.rel @p1 .LBB2_6-.Ltmp5, $2  }
0x33: {  	_ =	sdelay $0x2  }
0x34: {  	s14 =	sadd.s32 $0x10, s14;
	[tilespmem:s13+$0x0] =	vst v0;
	s13 =	sadd.s32 $0x10, s13  }
.Ltmp6:
0x35: {  	(pc) =	sbr.rel .LBB2_8-.Ltmp6, $4  }
0x36: {  	_ = 	snop  }
0x37: {  	s10 =	sshrl.u32 s10, $0x3  }
0x38: {  	s10 =	sadd.s32 s4, s10  }
0x39: {  	[hbm4b:s10+s6] =	stream.linear.scatter [tilespmem:s8], [sflag:$0x2], $0x280, $0x38;
	[tilespmem:$0xA00] =	vst v63  }
.LBB2_2:
.Ltmp7:
0x3a: {  	(pc) =	sbr.rel .LBB2_9-.Ltmp7, $2  }
0x3b: {  	_ =	sdelay $0x2  }
0x3c: {  	[tilespmem:s7], [sflag:$0x1] =	stream.linear.gather [hbm4b:s5+s6], $0x280, $0x38;
	[tilespmem:$0xA00] =	vst v63  }
.LBB2_10:
0x3d: {  	s2 =	simm.s32 $0x2  }
0x3e: {  	_ =	swait.ge [sflag:s2], $0x280  }
0x3f: {  	[sflag:s2] =	ssyncset.done $0x0  }
0x40: {  	[sflag:s2] =	ssyncadd.s32 $0xFFFFFD80  }
0x41: {  	_ =	sfence.sel $0x180000  }
0x42: {  	s3 =	simm.s32 $0x1;
	[bflag:$0x0] =	sbarrier.arrive $0xFFFF  }
0x43: {  	[sflag:s3] =	ssyncpa.u1 $0x1  }
0x44: {  	[sflag:s2] =	ssyncpa.u1 $0x1  }
0x45: {  	_ =	strace $0x90000047  }
0x46: {  	s0 =	sadd.s32 @!p0 $0x100000, s0;
	[bflag:$0x2] =	sbarrier.arrive $0xFFFF  }
0x47: {  	[sflag:s0] =	ssyncadd.tile.s32 @!p0 $0x1;
	s0 =	simm.s32 @!p0 $0x3F  }
0x48: {  	_ =	swait.ge @!p0 [sflag:s0], s1  }
0x49: {  	s1 =	ssub.s32 @!p0 $0x0, s1;
	[sflag:s0] =	ssyncset.done @!p0 $0x0  }
0x4a: {  	[sflag:s0] =	ssyncadd.s32 @!p0 s1  }
0x4b: {  	[bflag:$0x3] =	sbarrier.arrive $0xFFFF  }
0x4c: {  	_ =	shalt  }
.Lfunc_end2:
execute1_lowered:
.L_overlay_start_2:
0x4d: {  	(tag) =	ssettag $0x2  }
0x4e: {  	s0 =	rddreg [dreg:$0x0];
	_ =	strace $0x8000004A;
	s15 =	stileid.u32  }
0x4f: {  	s2 =	simm.s32 $0x1;
	s1 =	smin.u32 s15, $0x8;
	s3 =	sshll.u32 s15, $0x1  }
0x50: {  	v1 =	vimm.s32 $0xFFFFFFFF;
	[sflag:s2] =	ssyncpa.u1 $0x0;
	s1 =	sadd.s32 s1, s3  }
0x51: {  	p0 =	slt.u32 s15, $0x8;
	[tilespmem:$0x10] =	vst v1;
	s4 =	smul.u32 $0x1F40, s1;
	s1 =	simm.s32 $0x5DC0  }
0x52: {  	v0 =	vimm.f32 $0.0e+00;
	[tilespmem:$0x20] =	vst v1;
	s1 =	simm.s32 @!p0 $0x3E80  }
0x53: {  	[tilespmem:$0x30] =	vst v0;
	s1 =	sadd.s32 s1, s4  }
0x54: {  	[tilespmem:$0x40] =	vst v0;
	s5 =	smin.u32 s1, $0x4E200  }
0x55: {  	s7 =	simm.s32 $0x2;
	s8 =	simm.s32 $0x8;
	[tilespmem:$0x50] =	vst v0;
	s9 =	ssub.s32 s5, s4  }
0x56: {  	s31 =	simm.s32 $0x9;
	s16 =	simm.s32 $0x0;
	[tilespmem:$0x60] =	vst v1;
	p0 =	sgt.s32 s9, $0x0  }
0x57: {  	s17 =	simm.s32 $0xF0;
	s18 =	simm.s32 $0xFFFFFFFF;
	[tilespmem:$0x70] =	vst v1;
	s9 =	simm.s32 @!p0 $0x0  }
0x58: {  	s19 =	simm.s32 $0xFFFFC280;
	s20 =	simm.s32 $0xFFFFFFFE;
	[tilespmem:$0x80] =	vst v1;
	s30 =	smulhi.u32 $0x10624DD3, s9  }
0x59: {  	s21 =	simm.s32 $0xF;
	s25 =	simm.s32 $0x0;
	s24 =	simm.s32 $0x0;
	v1 =	vimm.s32 $0x0;
	[tilespmem:$0xB0] =	vst v0  }
0x5a: {  	s6 =	sadd.s32 $0xA200, s0;
	s15 =	sshllo.u32 s15, $0x1;
	[tilespmem:$0x90] =	vst v1;
	s10 =	sshrl.u32 s30, $0x9  }
0x5b: {  	[tilespmem:$0xA0] =	vst v1;
	[sflag:s7] =	ssyncpa.u1 $0x0;
	s7 =	simm.s32 $0x7;
	s11 =	smul.u32 $0x1F40, s10  }
.Ltmp8:
0x5c: {  	s13 =	sor.u32 $0x80, s3;
	[sflag:s7] =	ssyncpa.u1 $0x0;
	(pc) =	sbr.rel .LBB3_1-.Ltmp8, $4  }
0x5d: {  	s14 =	sor.u32 $0x81, s3;
	[sflag:s8] =	ssyncpa.u1 $0x0;
	p0 =	sne.s32 s9, s11  }
0x5e: {  	s23 =	smov.u32 s4;
	s1 =	sadd.s32 $0x1E400, s0;
	s2 =	simm.s32 @!p0 $0x0  }
0x5f: {  	vm0 =	vmmov $0xffff;
	v2 =	vlaneseq.u32;
	[sflag:s31] =	ssyncpa.u1 $0x0;
	s9 =	sadd.s32 $0x14000, s0;
	s10 =	sadd.s32 s2, s10  }
0x60: {  	vm1 =	vmxor vm1, vm1;
	vm2 =	vmmov $0x1;
	vm3 =	vcmask $0x3F3C;
	p0 =	por $0x0, $0x0;
	s11 =	sadd.s32 $0x1, s10;
	s12 =	sadd.s32 $0x2, s10  }
.LBB3_9:
0x61: {  	p1 =	slt.u32 s24, $0x3  }
0x62: {  	s0 =	simm.s32 @!p1 $0x2  }
0x63: {  	_ =	swait.ge @!p1 [sflag:s0], $0x1F40  }
0x64: {  	[sflag:s0] =	ssyncset.done @!p1 $0x0  }
0x65: {  	[sflag:s0] =	ssyncadd.s32 @!p1 $0xFFFFE0C0;
	s0 =	simm.s32 @!p1 $0x9  }
0x66: {  	_ =	swait.ge @!p1 [sflag:s0], $0x10  }
0x67: {  	[sflag:s0] =	ssyncset.done @!p1 $0x0  }
0x68: {  	[sflag:s0] =	ssyncadd.s32 @!p1 $0xFFFFFFF0;
	p1 =	sne.s32 s24, s12  }
.Ltmp9:
0x69: {  	s2 =	sadd.s32 $0x1F40, s23;
	(pc) =	sbr.rel @!p1 .LBB3_10-.Ltmp9, $4  }
0x6a: {  	s22 =	smov.u32 s4;
	s31 =	sadd.s32 $0x1, s24;
	s17 =	sadd.s32 $0x1F40, s17  }
0x6b: {  	s18 =	sadd.s32 $0x1, s18;
	s25 =	smov.u32 s23;
	p2 =	slt.s32 s2, s5  }
0x6c: {  	p0 =	por !p0, !p0;
	s19 =	sadd.s32 $0x1F40, s19;
	s22 =	smov.u32 @p2 s2  }
0x6d: {  	s20 =	sadd.s32 $0x1, s20;
	s23 =	smov.u32 s22;
	s24 =	smov.u32 s31  }
.LBB3_1:
0x6e: {  	p1 =	sge.u32 s24, s10  }
0x6f: {  	s0 =	smulhi.u32 @!p1 $0xAAAAAAAB, s24;
	_ =	sdelay $0x1  }
0x70: {  	s0 =	sshrl.u32 @!p1 s0, $0x1  }
0x71: {  	s0 =	smul.u32 @!p1 $0x3, s0;
	_ =	sdelay $0x1  }
0x72: {  	s0 =	ssub.s32 @!p1 s24, s0  }
0x73: {  	s0 =	smul.u32 @!p1 $0x7D00, s0;
	_ =	sdelay $0x1  }
0x74: {  	s2 =	sshrl.u32 @!p1 s23, $0x3;
	s0 =	sshrl.u32 @!p1 s0, $0x2  }
0x75: {  	s22 =	sand.u32 @!p1 $0x7, s23;
	s2 =	sadd.s32 @!p1 s6, s2;
	s0 =	sadd.s32 @!p1 $0x100, s0  }
0x76: {  	[tilespmem:s0], [sflag:$0x7] =	stream.linear.gather @!p1 [hbm4b:s2+s22], $0x1F40, $0x38;
	[tilespmem:$0x11A60] =	vst v63  }
0x77: {  	s0 =	sadd.s32 $0xFFFFFFFF, s24  }
0x78: {  	p1 =	sge.u32 s0, s10  }
.Ltmp10:
0x79: {  	_ = 	snop;
	(pc) =	sbr.rel @p1 .LBB3_5-.Ltmp10, $1  }
0x7a: {  	_ =	sdelay $0x3  }
0x7b: {  	s2 =	smulhi.u32 $0xAAAAAAAB, s0;
	_ =	sdelay $0x1  }
0x7c: {  	s2 =	sshrl.u32 s2, $0x1  }
0x7d: {  	s2 =	smul.u32 $0x3, s2;
	_ =	sdelay $0x1  }
0x7e: {  	s2 =	ssub.s32 s0, s2  }
0x7f: {  	s2 =	smul.u32 $0x7D00, s2  }
0x80: {  	_ =	swait.ge [sflag:s7], $0x1F40  }
0x81: {  	[sflag:s7] =	ssyncset.done $0x0;
	s2 =	sshrl.u32 s2, $0x2  }
0x82: {  	[sflag:s7] =	ssyncadd.s32 $0xFFFFE0C0;
	(ifvalue) =	ssetifvalue $0xFFFFFFFF;
	v3 =	vld.msk [tilespmem:s2+$0x100 ss:$0x1], $0xffff;
	_ =	sdelay $0x2  }
0x83: {  	s30 =	smulhi.u32 $0xAAAAAAAB, s18;
	p1 =	sne.s32 s24, $0x1  }
0x84: {  	v4 =	vimm.s32 @!p1 $0x0  }
0x85: {  	s2 =	sshrl.u32 s30, $0x1;
	v4 =	vperm.xlane @!p1 v3, v4  }
0x86: {  	s22 =	sshll.u32 s24, $0x4;
	s2 =	smul.u32 $0xFFFE8900, s2;
	vm4 =	vlt.u32 v3, $0x2800  }
0x87: {  	s22 =	sand.u32 $0x10, s22;
	v3 =	vnsel vm4, $0xFFFFFFFE, v3;
	vm4 =	vlt.u32 @!p1 v4, $0x2800  }
0x88: {  	s2 =	sshra.s32 s2, $0x2;
	[tilespmem:s22+$0x60] =	vst v3;
	v3 =	vnsel @!p1 vm4, $0xFFFFFFFE, v4  }
0x89: {  	s28 =	sadd.s32 s2, s17;
	[tilespmem:$0x80] =	vst @!p1 v3  }
0x8a: {  	v3 =	vld.msk [tilespmem:s28+$0x0 ss:$0x1], $0xffff;
	_ =	sdelay $0x4  }
0x8b: {  	(xrf1) =	vunique.msk.u32 $0xffff, v3;
	_ =	sdelay $0xd  }
0x8c: {  	v4 =	vimm.s32 $0xFFFFFFFF;
	v5, _, _ =	vpop (xrf1)  }
0x8d: {  	vm5 =	vne.s32 v3, v4;
	vm4 =	veq.s32 v5, v2  }
0x8e: {  	vm6 =	vlt.u32 v3, $0x2800;
	vm4 =	vmand vm5, vm4  }
0x8f: {  	vm4 =	vmand vm6, vm4  }
0x90: {  	v4 =	vnsel vm4, $0xFFFFFFFF, v3  }
0x91: {  	s31 =	sand.u32 $0x1, s0  }
0x92: {  	s0 =	simm.s32 $0x1F40;
	p1 =	seq.s32 s31, $0x1  }
0x93: {  	s0 =	simm.s32 @!p1 $0x0  }
0x94: {  	s26 =	sadd.s32 $0x7DF0, s0;
	(ifvalue) =	ssetifvalue $0xFFFFFFFF  }
0x95: {  	v3 =	vperm.xlane v3, v1;
	[tilespmem:s26], [sflag:$0x8] =	stream.indirect_vreg.gather [hbm4b:s1+s16], $0x1, v4, vm0, $0x4038;
	v4 =	vnsel vm6, $0xFFFFFFFE, v4;
	[tilespmem:$0x11A60] =	vst v63  }
0x96: {  	s2 =	simm.s32 $0x0;
	s22 =	sadd.s32 $0xFFFFFFF0, s28;
	[tilespmem:s28+$0x0] =	vst v4  }
.LBB3_3:
0x97: {  	v4 =	vld.msk [tilespmem:s22+$0x0 ss:$0x1], $0xffff;
	s2 =	sadd.s32 $0x10, s2;
	v5 =	vmov v3;
	s28 =	smov.u32 s22  }
0x98: {  	p1 =	slt.u32 s2, $0x1F30;
	_ =	sdelay $0x4  }
0x99: {  	v3 =	vperm.xlane v4, v1;
	(xrf1) =	vunique.msk.u32 $0xffff, v4;
	_ =	sdelay $0xd  }
0x9a: {  	v6, _, _ =	vpop (xrf1)  }
0x9b: {  	vm5 =	vne.s32 v4, v5;
	vm4 =	veq.s32 v6, v2  }
0x9c: {  	vm6 =	vlt.u32 v4, $0x2800;
	vm4 =	vmand vm5, vm4  }
0x9d: {  	vm4 =	vmand vm6, vm4  }
0x9e: {  	v4 =	vnsel vm4, $0xFFFFFFFF, v4  }
.Ltmp11:
0x9f: {  	v5 =	vnsel vm6, $0xFFFFFFFE, v4;
	(pc) =	sbr.rel @p1 .LBB3_3-.Ltmp11, $3  }
0xa0: {  	_ =	sdelay $0x1  }
0xa1: {  	s22 =	sadd.s32 $0xFFFFFFF0, s22;
	s26 =	sadd.s32 $0xFFFFFFF0, s26;
	(ifvalue) =	ssetifvalue $0xFFFFFFFF  }
0xa2: {  	[tilespmem:s26], [sflag:$0x8] =	stream.indirect_vreg.gather [hbm4b:s1+s16], $0x1, v4, vm0, $0x4038;
	[tilespmem:s28+$0x0] =	vst v5  }
0xa3: {  	s2 =	sshrl.u32 s25, $0x3  }
0xa4: {  	s0 =	sadd.s32 $0x9D40, s0;
	s2 =	sadd.s32 s9, s2  }
0xa5: {  	[tilespmem:s0], [sflag:$0x8] =	stream.linear.gather [hbm:s2], $0x1F40, $0x38;
	[tilespmem:$0x11A60] =	vst v63  }
.LBB3_5:
0xa6: {  	p1 =	slt.u32 s24, $0x2  }
0xa7: {  	p2 =	sge.u32 @!p1 s24, s12  }
0xa8: {  	p1 =	por p1, p2  }
.Ltmp12:
0xa9: {  	_ = 	snop;
	(pc) =	sbr.rel @p1 .LBB3_9-.Ltmp12, $1  }
0xaa: {  	_ =	sdelay $0x3  }
0xab: {  	s0 =	sadd.s32 $0xFFFFFFFE, s24  }
0xac: {  	s2 =	smulhi.u32 $0xAAAAAAAB, s0;
	_ =	sdelay $0x1  }
0xad: {  	s2 =	sshrl.u32 s2, $0x1  }
0xae: {  	s2 =	smul.u32 $0x3, s2;
	_ =	sdelay $0x1  }
0xaf: {  	s0 =	ssub.s32 s0, s2  }
0xb0: {  	_ =	swait.ge [sflag:s8], $0x3E80;
	s0 =	smul.u32 $0x1F40, s0  }
0xb1: {  	p1 =	sne.s32 s24, s11;
	[sflag:s8] =	ssyncset.done $0x0  }
0xb2: {  	[sflag:s8] =	ssyncadd.s32 $0xFFFFC180;
	s2 =	sadd.s32 @!p1 $0x203F, s0  }
0xb3: {  	[spmem:s14] =	stream.linear.scatter @!p1 [tilespmem:s2], [sflag:$0x1], $0x1, $0x38;
	[tilespmem:$0x11A60] =	vst v63  }
0xb4: {  	s2 =	simm.s32 @!p1 $0x1  }
0xb5: {  	_ =	swait.ge @!p1 [sflag:s2], $0x1  }
0xb6: {  	s22 =	sshll.u32 s24, $0x4;
	[sflag:s2] =	ssyncset.done @!p1 $0x0  }
0xb7: {  	s25 =	sand.u32 $0x10, s22;
	[sflag:s2] =	ssyncadd.s32 @!p1 $0xFFFFFFFF  }
0xb8: {  	s2 =	sxor.u32 $0x10, s25;
	v4 =	vld [tilespmem:s25+$0x10]  }
0xb9: {  	v5 =	vld [tilespmem:s2+$0x60]  }
0xba: {  	v3 =	vld [tilespmem:$0x80];
	_ =	sdelay $0x2  }
0xbb: {  	(v2sf) =	vpush v4, $0x0  }
0xbc: {  	(v2sf) =	vpush v5, $0x0  }
0xbd: {  	(v2sf) =	vpush v3, $0x0;
	_ =	sdelay $0xc  }
0xbe: {  	s22 =	spop (v2sf)  }
0xbf: {  	s26 =	spop (v2sf)  }
0xc0: {  	s28 =	spop (v2sf)  }
0xc1: {  	p2 =	seq.s32 s22, s26;
	p3 =	seq.s32 s28, s22  }
0xc2: {  	p3 =	por p2, p3  }
0xc3: {  	s26 =	sand.u32 $0x1, s24;
	v4 =	vpsel p3, $0xFFFFFFFF, v4  }
0xc4: {  	s29 =	smul.u32 $0x1F40, s26;
	[tilespmem:s25+$0x10] =	vst.msk $0x1, v4  }
0xc5: {  	v4 =	vld [tilespmem:$0x30]  }
0xc6: {  	v5 =	vld [tilespmem:s29+$0x9D40]  }
0xc7: {  	v6 =	vld [tilespmem:s25+$0x40];
	_ =	sdelay $0x3  }
0xc8: {  	vm4 =	vmmov vm1;
	v5 =	vadd.f32 v5, v4  }
0xc9: {  	vm5 =	vmmov vm2;
	vm4 =	vmmov @p2 vm2;
	s22 =	sshll.u32 s26, $0x4;
	v4 =	vadd.f32 v6, v4  }
0xca: {  	s26 =	sor.u32 $0x11A40, s22;
	vm5 =	vmmov @p3 vm1;
	[tilespmem:s29+$0x9D40] =	vst.msk vm4, v5  }
0xcb: {  	[tilespmem:s26+$0x0] =	vst.msk vm5, v4  }
0xcc: {  	v4 =	vld [tilespmem:s29+$0x7DF0];
	_ =	sdelay $0x3  }
0xcd: {  	v5 =	vimm.f32 $0.0e+00  }
0xce: {  	v4 =	vshift.insert v4, v5, s21  }
0xcf: {  	s22 =	sor.u32 $0x40, s2  }
0xd0: {  	[tilespmem:s22+$0x0] =	vst.msk $0x1, v4  }
0xd1: {  	[tilespmem:s29+$0x7DFF] =	vst.msk $0x1, v5  }
0xd2: {  	v4 =	vld [tilespmem:s0+$0x2030];
	_ =	sdelay $0x1  }
0xd3: {  	s22 =	smulhi.u32 $0xAAAAAAAB, s20;
	s0 =	simm.s32 $0x1  }
0xd4: {  	s0 =	simm.s32 @!p0 $0x0  }
0xd5: {  	s22 =	sshrl.u32 s22, $0x1;
	s0 =	smul.u32 $0x7D00, s0  }
0xd6: {  	s22 =	smul.u32 $0xFFFE8900, s22;
	v4 =	vshift.insert v4, v1, s21  }
0xd7: {  	s0 =	sshrl.u32 s0, $0x2  }
0xd8: {  	s22 =	sshra.s32 s22, $0x2;
	s30 =	sadd.s32 $0x9D40, s0;
	[tilespmem:s2+$0x10] =	vst.msk $0x1, v4  }
0xd9: {  	s22 =	sadd.s32 s22, s19;
	v6 =	vld [tilespmem:s30+$0x0]  }
0xda: {  	v7 =	vld [tilespmem:s22+$0x0];
	_ =	sdelay $0x3  }
0xdb: {  	v5 =	vadd.f32 v6, v5  }
0xdc: {  	vm4 =	vne.s32 v7, $0xFFFFFFFF  }
0xdd: {  	(xrf2) =	vadd.seg.scan.f32 vm4, v5;
	_ =	sdelay $0x3  }
0xde: {  	s31 =	sadd.s32 $0x5EC0, s0;
	v5 =	vperm.xlane v4, v1  }
0xdf: {  	v6 =	vld [tilespmem:s31+$0x0]  }
0xe0: {  	vm5 =	veq.s32 v7, v3;
	vm6 =	veq.s32 v7, v5  }
0xe1: {  	vm7 =	vgt.u32 v7, $0xFFFFFFFD;
	vm6 =	vmor vm6, vm5  }
0xe2: {  	vm6 =	vmor vm6, vm7  }
0xe3: {  	v9 =	vld [tilespmem:$0xA0];
	v7 =	vsel vm6, $0xFFFFFFFF, v7  }
0xe4: {  	v10 =	vld [tilespmem:$0x90];
	v6 =	vsel vm5, $0x0, v6;
	v8, _, _ =	vpop (xrf2)  }
0xe5: {  	v6 =	vadd.f32 v8, v6  }
0xe6: {  	s0 =	sadd.s32 $0xDBC0, s0  }
0xe7: {  	vm4 =	vmand vm4, vm3;
	[tilespmem:s0+$0x0] =	vst v6;
	(ifvalue) =	ssetifvalue $0xFFFFFFFF  }
0xe8: {  	vm6 =	veq.s32 v9, $0x1;
	[hbm4b:s1+s16] =	stream.indirect_vreg.scatter [tilespmem:s0], [sflag:$0x2], $0x1, v7, vm0, $0x4038;
	v7 =	vsel vm4, $0x0, v8;
	[tilespmem:$0x11A60] =	vst v63  }
0xe9: {  	s2 =	simm.s32 $0x0;
	s22 =	sadd.s32 $0x10, s22;
	vm4 =	vmor vm6, vm5;
	v6 =	vsel vm5, v8, v10;
	v7 =	vshift.insert v7, v0, s21  }
.LBB3_7:
0xea: {  	v8 =	vld [tilespmem:s22+$0x0];
	s30 =	sadd.s32 $0x10, s30  }
0xeb: {  	s31 =	sadd.s32 $0x10, s31;
	v9 =	vld [tilespmem:s30+$0x0]  }
0xec: {  	s2 =	sadd.s32 $0x10, s2;
	v10 =	vld [tilespmem:s31+$0x0]  }
0xed: {  	p2 =	slt.u32 s2, $0x1F30;
	_ =	sdelay $0x2  }
0xee: {  	v7 =	vadd.f32 v9, v7  }
0xef: {  	vm5 =	vne.s32 v8, $0xFFFFFFFF  }
0xf0: {  	vm6 =	vmand vm5, vm3;
	(xrf2) =	vadd.seg.scan.f32 vm5, v7;
	_ =	sdelay $0x5  }
0xf1: {  	vm7 =	veq.s32 v8, v5;
	vm5 =	veq.s32 v8, v3  }
0xf2: {  	vm8 =	vgt.u32 v8, $0xFFFFFFFD;
	vm4 =	vmor vm4, vm5;
	vm7 =	vmor vm7, vm5  }
0xf3: {  	vm7 =	vmor vm7, vm8  }
0xf4: {  	v8 =	vsel vm7, $0xFFFFFFFF, v8  }
.Ltmp13:
0xf5: {  	v7 =	vsel vm5, $0x0, v10;
	v9, _, _ =	vpop (xrf2);
	(pc) =	sbr.rel @p2 .LBB3_7-.Ltmp13, $4  }
0xf6: {  	v6 =	vsel vm5, v9, v6;
	v10 =	vadd.f32 v9, v7;
	v7 =	vsel vm6, $0x0, v9  }
0xf7: {  	s0 =	sadd.s32 $0x10, s0;
	v7 =	vshift.insert v7, v0, s21  }
0xf8: {  	s22 =	sadd.s32 $0x10, s22;
	[tilespmem:s0+$0x0] =	vst v10;
	(ifvalue) =	ssetifvalue $0xFFFFFFFF  }
0xf9: {  	[hbm4b:s1+s16] =	stream.indirect_vreg.scatter [tilespmem:s0], [sflag:$0x2], $0x1, v8, vm0, $0x4038;
	[tilespmem:$0x11A60] =	vst v63  }
0xfa: {  	v3 =	vld [tilespmem:s29+$0xFAF0];
	_ =	sdelay $0x4  }
0xfb: {  	v3 =	vshift.insert v3, v0, s21  }
0xfc: {  	s0 =	simm.s32 $0x30  }
0xfd: {  	[tilespmem:s0+$0x0] =	vst.msk $0x1, v3  }
0xfe: {  	v3 =	vsel vm4, $0x1, v1;
	[tilespmem:$0x90] =	vst v6  }
0xff: {  	s0 =	sadd.s32 @!p1 $0xFAFF, s29;
	[tilespmem:$0xA0] =	vst v3  }
0x100: {  	[spmem:s15] =	stream.linear.scatter @!p1 [tilespmem:s0], [sflag:$0x1], $0x1, $0x38;
	[tilespmem:$0x11A60] =	vst v63  }
0x101: {  	s0 =	simm.s32 @!p1 $0x1  }
0x102: {  	v3 =	vmctz.xlane @!p1 vm4;
	_ =	swait.ge @!p1 [sflag:s0], $0x1  }
0x103: {  	(v2sf) =	vpush @!p1 v4, $0x0  }
0x104: {  	(v2sf) =	vpush @!p1 v3, $0x0;
	_ =	sdelay $0xd  }
0x105: {  	s2 =	spop @!p1 (v2sf)  }
0x106: {  	s22 =	spop @!p1 (v2sf)  }
0x107: {  	p2 =	sne.s32 @!p1 s28, s2;
	p3 =	slt.s32 @!p1 s22, $0xF  }
0x108: {  	[sflag:s0] =	ssyncset.done @!p1 $0x0;
	p2 =	por p2, p1;
	p3 =	por !p3, p1  }
0x109: {  	[sflag:s0] =	ssyncadd.s32 @!p1 $0xFFFFFFFF;
	v3 =	vimm.s32 @!p2 $0xFFFFFFFF;
	s22 =	simm.s32 @p3 $0xF  }
0x10a: {  	[tilespmem:$0x80] =	vst @!p2 v3;
	s2 =	sadd.s32 @!p1 $0x90, s22  }
0x10b: {  	[spmem:s3] =	stream.linear.scatter @!p1 [tilespmem:s2], [sflag:$0x1], $0x1, $0x38;
	[tilespmem:$0x11A60] =	vst v63  }
0x10c: {  	_ =	swait.ge @!p1 [sflag:s0], $0x1  }
0x10d: {  	[sflag:s0] =	ssyncset.done @!p1 $0x0  }
0x10e: {  	s2 =	simm.s32 @!p1 $0x80;
	[sflag:s0] =	ssyncadd.s32 @!p1 $0xFFFFFFFF  }
0x10f: {  	[spmem:s13] =	stream.linear.scatter @!p1 [tilespmem:s2], [sflag:$0x1], $0x1, $0x38;
	[tilespmem:$0x11A60] =	vst v63  }
0x110: {  	_ =	swait.ge @!p1 [sflag:s0], $0x1  }
0x111: {  	[sflag:s0] =	ssyncset.done @!p1 $0x0  }
0x112: {  	[sflag:s0] =	ssyncadd.s32 @!p1 $0xFFFFFFFF;
	(ifvalue) =	ssetifvalue $0xFFFFFFFF;
	v3 =	vld [tilespmem:s25+$0x10];
	_ =	sdelay $0x3  }
.Ltmp14:
0x113: {  	_ = 	snop;
	(pc) =	sbr.rel .LBB3_9-.Ltmp14, $3  }
0x114: {  	_ =	sdelay $0x1  }
0x115: {  	(ifvalue) =	ssetifvalue $0xFFFFFFFF  }
0x116: {  	[hbm4b:s1+s16] =	stream.indirect_vreg.scatter [tilespmem:s26], [sflag:$0x9], $0x1, v3, vm0, $0x4038;
	[tilespmem:$0x11A60] =	vst v63  }
.LBB3_10:
0x117: {  	_ =	sfence.sel $0x180000  }
0x118: {  	s0 =	simm.s32 $0x7;
	[bflag:$0x0] =	sbarrier.arrive $0xFFFF  }
0x119: {  	s26 =	simm.s32 $0x8;
	[sflag:s0] =	ssyncpa.u1 $0x1  }
0x11a: {  	s28 =	simm.s32 $0x9;
	[sflag:s26] =	ssyncpa.u1 $0x1  }
0x11b: {  	[sflag:s28] =	ssyncpa.u1 $0x1  }
0x11c: {  	_ =	sfence.stream.spmem  }
0x11d: {  	s29 =	simm.s32 $0x3;
	[bflag:$0x0] =	sbarrier.arrive $0xFFFF  }
0x11e: {  	s30 =	simm.s32 $0x4;
	[sflag:s29] =	ssyncpa.u1 $0x1  }
0x11f: {  	s31 =	simm.s32 $0x3C;
	s2 =	stileid.u32;
	[sflag:s30] =	ssyncpa.u1 $0x1  }
0x120: {  	p0 =	sne.s32 s2, $0x0;
	[sflag:s31] =	ssyncpa.u1 $0x1  }
0x121: {  	s0 =	simm.s32 @p0 $0x1;
	_ =	sfence @p0  }
0x122: {  	[sflag:s0] =	ssyncpa.u1 @p0 $0x1;
	s0 =	simm.s32 @p0 $0x2  }
0x123: {  	[sflag:s0] =	ssyncpa.u1 @p0 $0x1  }
0x124: {  	_ =	strace @p0 $0x9000004A  }
0x125: {  	[bflag:$0x2] =	sbarrier.arrive @p0 $0xFFFF  }
0x126: {  	_ =	shalt @p0  }
.LBB3_11:
0x127: {  	_ =	sfence.stream.spmem;
	s0 =	simm.s32 $0x5  }
0x128: {  	s2 =	simm.s32 $0x80;
	s3 =	simm.s32 $0xC0;
	[sflag:s0] =	ssyncpa.u1 $0x0  }
0x129: {  	[tilespmem:s3], [sflag:$0x5] =	stream.linear.gather [spmem:s2], $0x20, $0x38;
	[tilespmem:$0x11A60] =	vst v63  }
0x12a: {  	s2 =	simm.s32 $0x0;
	s3 =	simm.s32 $0xE0  }
0x12b: {  	[tilespmem:s3], [sflag:$0x5] =	stream.linear.gather [spmem:s2], $0x20, $0x38;
	[tilespmem:$0x11A60] =	vst v63  }
.Ltmp15:
0x12c: {  	_ = 	snop;
	(pc) =	sbr.rel .LBB3_12-.Ltmp15, $4  }
0x12d: {  	_ =	swait.ge [sflag:s0], $0x40  }
0x12e: {  	[sflag:s0] =	ssyncset.done $0x0  }
0x12f: {  	s31 =	simm.s32 $0x6;
	[sflag:s0] =	ssyncadd.s32 $0xFFFFFFC0  }
0x130: {  	s4 =	simm.s32 $0x0;
	[sflag:s31] =	ssyncpa.u1 $0x0  }
.LBB3_17:
0x131: {  	p0 =	sgt.u32 s5, $0x27FF  }
0x132: {  	s0 =	sshrl.u32 @!p0 s5, $0x3  }
0x133: {  	s5 =	sand.u32 @!p0 $0x7, s5;
	s6 =	simm.s32 @!p0 $0xB0;
	s0 =	sadd.s32 @!p0 s1, s0  }
0x134: {  	[tilespmem:s6], [sflag:$0x6] =	stream.linear.gather @!p0 [hbm4b:s0+s5], $0x1, $0x38;
	[tilespmem:$0x11A60] =	vst v63  }
0x135: {  	s0 =	simm.s32 @!p0 $0x6  }
0x136: {  	_ =	swait.ge @!p0 [sflag:s0], $0x1  }
0x137: {  	[sflag:s0] =	ssyncset.done @!p0 $0x0  }
0x138: {  	[sflag:s0] =	ssyncadd.s32 @!p0 $0xFFFFFFFF  }
0x139: {  	v2 =	vmov @!p0 s4;
	v1 =	vld.msk @!p0 [tilespmem:$0xB0], $0x1;
	_ =	sdelay $0x3  }
0x13a: {  	s0 =	simm.s32 @!p0 $0xE0  }
0x13b: {  	[tilespmem:v2+s0+$0x0], v1 =	vst.idx.ret.add.f32.msk @!p0 $0x1, v1  }
0x13c: {  	[tilespmem:s2+$0xC0] =	vst.msk $0x1, v0  }
0x13d: {  	v0 =	vld.msk [tilespmem:s4+$0xE0], $0x1;
	_ =	sdelay $0x4  }
0x13e: {  	[tilespmem:s2+$0xE0] =	vst.msk $0x1, v0;
	s2 =	sadd.s32 $0x1, s2  }
.LBB3_19:
0x13f: {  	s4 =	sadd.s32 $0x1, s4  }
0x140: {  	p0 =	sne.s32 s4, $0x20  }
.Ltmp16:
0x141: {  	_ = 	snop;
	(pc) =	sbr.rel @!p0 .LBB3_20-.Ltmp16, $1  }
0x142: {  	_ =	sdelay $0x3  }
.LBB3_12:
0x143: {  	v0 =	vld.msk [tilespmem:s4+$0xC0], $0x1;
	_ =	sdelay $0x4  }
0x144: {  	(v2sf) =	vpush v0, $0x0;
	_ =	sdelay $0xe  }
0x145: {  	s5 =	spop (v2sf)  }
0x146: {  	p0 =	seq.s32 s5, $0xFFFFFFFF  }
.Ltmp17:
0x147: {  	_ = 	snop;
	(pc) =	sbr.rel @p0 .LBB3_19-.Ltmp17, $1  }
0x148: {  	_ =	sdelay $0x3  }
0x149: {  	p0 =	slt.s32 s2, $0x1  }
.Ltmp18:
0x14a: {  	_ = 	snop;
	(pc) =	sbr.rel @p0 .LBB3_17-.Ltmp18, $1  }
0x14b: {  	_ =	sdelay $0x3  }
0x14c: {  	s0 =	simm.s32 $0xC0;
	p0 =	por $0x0, $0x0  }
0x14d: {  	v1 =	vld.msk @!p0 [tilespmem:s0+$0x0], $0x1;
	_ =	sdelay $0x4  }
0x14e: {  	(v2sf) =	vpush @!p0 v1, $0x0;
	_ =	sdelay $0xd  }
0x14f: {  	p2 =	sne.s32 s2, $0x1  }
.Ltmp19:
0x150: {  	s6 =	spop @!p0 (v2sf);
	(pc) =	sbr.rel @!p2 .LBB3_16-.Ltmp19, $4  }
0x151: {  	p1 =	seq.s32 @!p0 s5, s6  }
0x152: {  	s6 =	simm.s32 $0x0;
	p1 =	por !p1, p0  }
0x153: {  	s8 =	simm.s32 $0xFFFFFFFF;
	s6 =	simm.s32 @p1 $0xFFFFFFFF  }
0x154: {  	s7 =	simm.s32 $0x1;
	s6 =	smov.u32 @p0 s8  }
.LBB3_15:
0x155: {  	s8 =	smov.u32 s6;
	p0 =	sne.s32 s6, $0xFFFFFFFF  }
0x156: {  	s0 =	sadd.s32 $0x1, s0;
	s6 =	smov.u32 s7;
	s7 =	sadd.s32 $0x1, s7  }
0x157: {  	p1 =	sne.s32 s2, s7;
	v1 =	vld.msk @!p0 [tilespmem:s0+$0x0], $0x1;
	_ =	sdelay $0x4  }
0x158: {  	(v2sf) =	vpush @!p0 v1, $0x0;
	_ =	sdelay $0xe  }
.Ltmp20:
0x159: {  	s9 =	spop @!p0 (v2sf);
	(pc) =	sbr.rel @p1 .LBB3_15-.Ltmp20, $4  }
0x15a: {  	p2 =	seq.s32 @!p0 s5, s9  }
0x15b: {  	p2 =	por !p2, p0  }
0x15c: {  	s6 =	simm.s32 @p2 $0xFFFFFFFF  }
0x15d: {  	s6 =	smov.u32 @p0 s8  }
.LBB3_16:
0x15e: {  	p0 =	sne.s32 s6, $0xFFFFFFFF  }
.Ltmp21:
0x15f: {  	_ = 	snop;
	(pc) =	sbr.rel @!p0 .LBB3_17-.Ltmp21, $1  }
0x160: {  	_ =	sdelay $0x3  }
0x161: {  	v0 =	vld.msk [tilespmem:s4+$0xE0], $0x1;
	v1 =	vmov s6  }
.Ltmp22:
0x162: {  	_ = 	snop;
	(pc) =	sbr.rel .LBB3_19-.Ltmp22, $2  }
0x163: {  	_ =	sdelay $0x2  }
0x164: {  	[tilespmem:v1+s3+$0x0], v0 =	vst.idx.ret.add.f32.msk $0x1, v0  }
.LBB3_20:
0x165: {  	p0 =	slt.s32 s2, $0x1  }
.Ltmp23:
0x166: {  	_ = 	snop;
	(pc) =	sbr.rel @p0 .LBB3_24-.Ltmp23, $3  }
0x167: {  	_ =	sdelay $0x1  }
0x168: {  	s0 =	simm.s32 $0x6  }
0x169: {  	s3 =	simm.s32 $0x0;
	[sflag:s0] =	ssyncpa.u1 $0x1  }
0x16a: {  	s0 =	simm.s32 $0xC0  }
0x16b: {  	v0 =	vld.msk [tilespmem:s0+$0x0], $0x1;
	_ =	sdelay $0x4  }
0x16c: {  	(v2sf) =	vpush v0, $0x0;
	_ =	sdelay $0xe  }
0x16d: {  	s2 =	sadd.s32 $0xFFFFFFFF, s2;
	s4 =	spop (v2sf)  }
0x16e: {  	p1 =	sne.s32 s2, $0x0;
	p0 =	sgt.u32 s4, $0x27FF  }
.Ltmp24:
0x16f: {  	s5 =	sshrl.u32 @!p0 s4, $0x3;
	(pc) =	sbr.rel @!p1 .LBB3_23-.Ltmp24, $4  }
0x170: {  	s0 =	simm.s32 $0xE0;
	s4 =	sand.u32 @!p0 $0x7, s4;
	s5 =	sadd.s32 @!p0 s1, s5  }
0x171: {  	[hbm4b:s5+s4] =	stream.linear.scatter @!p0 [tilespmem:s0], [sflag:$0x5], $0x1, $0x38;
	[tilespmem:$0x11A60] =	vst v63  }
0x172: {  	s5 =	simm.s32 $0x0  }
0x173: {  	s4 =	simm.s32 $0xC1;
	s5 =	simm.s32 @!p0 $0x4  }
.LBB3_22:
0x174: {  	v0 =	vld.msk [tilespmem:s4+$0x0], $0x1;
	s2 =	sadd.s32 $0xFFFFFFFF, s2;
	s3 =	sadd.s32 s3, s5  }
0x175: {  	p0 =	sne.s32 s2, $0x0;
	_ =	sdelay $0x3  }
0x176: {  	(v2sf) =	vpush v0, $0x0;
	_ =	sdelay $0xe  }
.Ltmp25:
0x177: {  	s6 =	spop (v2sf);
	(pc) =	sbr.rel @p0 .LBB3_22-.Ltmp25, $4  }
0x178: {  	s5 =	simm.s32 $0x0;
	p1 =	sgt.u32 s6, $0x27FF  }
0x179: {  	s0 =	sadd.s32 $0x1, s0;
	s5 =	simm.s32 @!p1 $0x4;
	s7 =	sshrl.u32 @!p1 s6, $0x3  }
0x17a: {  	s4 =	sadd.s32 $0x1, s4;
	s6 =	sand.u32 @!p1 $0x7, s6;
	s7 =	sadd.s32 @!p1 s1, s7  }
0x17b: {  	[hbm4b:s7+s6] =	stream.linear.scatter @!p1 [tilespmem:s0], [sflag:$0x5], $0x1, $0x38;
	[tilespmem:$0x11A60] =	vst v63  }
.LBB3_23:
0x17c: {  	s0 =	sadd.s32 s3, s5  }
0x17d: {  	s3 =	sshrl.u32 s0, $0x2  }
.LBB3_24:
0x17e: {  	s0 =	simm.s32 $0x5  }
0x17f: {  	_ =	swait.ge [sflag:s0], s3  }
0x180: {  	s1 =	ssub.s32 $0x0, s3;
	[sflag:s0] =	ssyncset.done $0x0  }
0x181: {  	[sflag:s0] =	ssyncadd.s32 s1  }
0x182: {  	[sflag:s0] =	ssyncpa.u1 $0x1  }
0x183: {  	s29 =	simm.s32 $0x1;
	_ =	sfence  }
0x184: {  	s30 =	simm.s32 $0x2;
	[sflag:s29] =	ssyncpa.u1 $0x1  }
0x185: {  	[sflag:s30] =	ssyncpa.u1 $0x1  }
0x186: {  	_ =	strace $0x9000004A  }
0x187: {  	[bflag:$0x2] =	sbarrier.arrive $0xFFFF  }
0x188: {  	s31 =	rddreg [dreg:$0x1]  }
0x189: {  	s0 =	sadd.s32 $0x100000, s31  }
0x18a: {  	[sflag:s0] =	ssyncadd.tile.s32 $0x1;
	_ =	shalt  }
.Lfunc_end3:
_tile_overlayer_lowered:
.L_overlay_start_3:
0x18b: {  	(tag) =	ssettag $0x3  }
0x18c: {  	s0 =	rddreg [dreg:$0x0];
	s2 =	stileid.u32  }
0x18d: {  	s1 =	rddreg [dreg:$0x1];
	p0 =	sne.s32 s2, $0x0  }
0x18e: {  	s3 =	rddreg [dreg:$0x2];
	[bflag:$0x3] =	sbarrier.arrive $0xFFFF;
	s2 =	simm.s32 @!p0 $0x1C01  }
0x18f: {  	[timem:s3], [sflag:s2] =	dma.local @!p0 [hbm:s0], s1  }
0x190: {  	s0 =	simm.s32 @!p0 $0x1  }
0x191: {  	_ =	swait.ge @!p0 [sflag:s0], s1  }
0x192: {  	s1 =	ssub.s32 @!p0 $0x0, s1;
	[sflag:s0] =	ssyncset.done @!p0 $0x0  }
0x193: {  	[sflag:s0] =	ssyncadd.s32 @!p0 s1  }
0x194: {  	[bflag:$0x3] =	sbarrier.arrive $0xFFFF  }
0x195: {  	_ =	shalt  }

// kernel: scatter_offload_async_start
scs
__scs_entry_jumppad:
0x0: {  	(pc) =	sbr.rel $0x88, $3  }
0x1: {  	(tag) =	ssettag $0x0;
	lr =	simm.s32 $0x1  }
0x2: {  	[smem:$0x3F97] =	sst lr;
	_ =	strace $0xD0000000  }
0x3: {  	_ = 	snop  }
0x4: {  	_ = 	snop  }
0x5: {  	_ = 	snop  }
0x6: {  	_ = 	snop  }
0x7: {  	_ = 	snop  }
__scs_overlays_trampoline_lowered:
0x8: {  	[smem:$0x3FA6] =	sst s0  }
0x9: {  	[smem:$0x3FA7] =	sst s1  }
0xa: {  	[smem:$0x3FA8] =	sst s2  }
0xb: {  	[smem:$0x3FA9] =	sst s3  }
0xc: {  	[smem:$0x3FAA] =	sst s4  }
0xd: {  	[smem:$0x3FAB] =	sst s5  }
0xe: {  	[smem:$0x3FAC] =	sst s6  }
0xf: {  	[smem:$0x3FAD] =	sst s7  }
0x10: {  	[smem:$0x3FAE] =	sst s8  }
0x11: {  	[smem:$0x3FAF] =	sst s9;
	s0 =	simm.s32 @!p0 $0x0  }
0x12: {  	s1 =	sld [smem:$0x3F95];
	s0 =	simm.s32 @p0 $0x1  }
0x13: {  	[smem:$0x3FB0] =	sst s0;
	s0 =	simm.s32 @!p1 $0x0  }
0x14: {  	s2 =	sld [smem:$0x3F94];
	s0 =	simm.s32 @p1 $0x1  }
0x15: {  	[smem:$0x3FB1] =	sst s0;
	s0 =	simm.s32 @!p2 $0x0  }
0x16: {  	s3 =	sld [smem:$0x3FDB];
	s0 =	simm.s32 @p2 $0x1  }
0x17: {  	s4 =	simm.s32 $0x1BF5;
	[smem:$0x3FB3] =	sst s0  }
0x18: {  	s0 =	sld [smem:$0x3F96];
	_ =	swait.ge [sflag:s4], $0x0  }
0x19: {  	s7 =	sld [smem:$0x3F97]  }
0x1a: {  	s8 =	sadd.s32 $0xFFFFE003, lr  }
0x1b: {  	s9 =	sadd.s32 $0xFFFFFEF7, lr;
	s5 =	simm.s32 $0xFFFFFFFF;
	p2 =	slt.u32 s8, $0xFFFFF086  }
0x1c: {  	p1 =	slt.u32 s9, $0xF7A;
	s5 =	simm.s32 @!p2 $0x0  }
0x1d: {  	s5 =	simm.s32 @p1 $0x1;
	p0 =	seq.s32 s7, s2  }
0x1e: {  	s7 =	smul.u32 @!p0 $0xF7A, s2;
	p2 =	seq.s32 @!p0 s5, $0x0  }
0x1f: {  	s9 =	smul.u32 $0xF7A, s1;
	s8 =	simm.s32 @!p0 $0x1BF5;
	p2 =	por !p2, p0  }
0x20: {  	[sflag:s8] =	ssyncset.s32 @!p0 $0xFFFFF086;
	s6 =	sadd.s32 @!p0 s3, s7;
	s7 =	simm.s32 @!p0 $0x108  }
0x21: {  	s3 =	sadd.s32 s3, s9;
	s6 =	sadd.s32 @!p0 $0x88, s6;
	s7 =	simm.s32 @p2 $0x1082  }
0x22: {  	[simem:s7], [sflag:s8] =	dma.local @!p0 [hbm:s6], $0xF7A  }
0x23: {  	s9 =	sor.u32 $0xD0000000, s2;
	s6 =	simm.s32 $0x108;
	_ =	swait.ge @!p0 [sflag:s8], $0x0  }
0x24: {  	s3 =	sadd.s32 $0x88, s3;
	s6 =	simm.s32 @!p1 $0x1082;
	[sflag:s4] =	ssyncset.s32 $0xFFFFF086  }
0x25: {  	[simem:s6], [sflag:s4] =	dma.local [hbm:s3], $0xF7A  }
0x26: {  	[smem:$0x3F97] =	sst s1;
	(tag) =	ssettag s2;
	_ =	strace s9  }
0x27: {  	s1 =	sld [smem:$0x3FA7]  }
0x28: {  	s2 =	sld [smem:$0x3FA8]  }
0x29: {  	s4 =	sld [smem:$0x3FAA]  }
0x2a: {  	p0 =	seq.s32 s5, $0x0;
	s5 =	sld [smem:$0x3FAB]  }
0x2b: {  	s6 =	sld [smem:$0x3FAC]  }
0x2c: {  	s7 =	sld [smem:$0x3FAD]  }
0x2d: {  	s3 =	simm.s32 $0x108;
	s8 =	sld [smem:$0x3FAE]  }
0x2e: {  	s3 =	simm.s32 @!p0 $0x1082;
	s9 =	sld [smem:$0x3FAF]  }
0x2f: {  	lr =	sadd.s32 s0, s3;
	s0 =	sld [smem:$0x3FA6]  }
0x30: {  	s3 =	sld [smem:$0x3FA9]  }
0x31: {  	[smem:$0x3FB2] =	sst s10  }
0x32: {  	s10 =	sld [smem:$0x3FB0];
	_ =	sdelay $0x3  }
0x33: {  	p0 =	seq.s32 s10, $0x1;
	s10 =	sld [smem:$0x3FB2];
	_ =	sdelay $0x3  }
0x34: {  	[smem:$0x3FB2] =	sst s10  }
0x35: {  	s10 =	sld [smem:$0x3FB1];
	_ =	sdelay $0x3  }
0x36: {  	p1 =	seq.s32 s10, $0x1;
	s10 =	sld [smem:$0x3FB2];
	_ =	sdelay $0x3  }
0x37: {  	[smem:$0x3FB2] =	sst s10  }
0x38: {  	s10 =	sld [smem:$0x3FB3]  }
0x39: {  	_ = 	snop;
	(pc) =	sbr.ind lr, $3  }
0x3a: {  	_ = 	snop  }
0x3b: {  	_ = 	snop  }
0x3c: {  	p2 =	seq.s32 s10, $0x1;
	s10 =	sld [smem:$0x3FB2]  }
0x3d: {  	_ =	shalt  }
0x3e: {  	_ =	shalt  }
0x3f: {  	_ =	shalt  }
0x40: {  	_ =	shalt  }
0x41: {  	_ =	shalt  }
0x42: {  	_ =	shalt  }
0x43: {  	_ =	shalt  }
0x44: {  	_ =	shalt  }
0x45: {  	_ =	shalt  }
0x46: {  	_ =	shalt  }
0x47: {  	_ =	shalt  }
0x48: {  	_ =	shalt  }
0x49: {  	_ =	shalt  }
0x4a: {  	_ =	shalt  }
0x4b: {  	_ =	shalt  }
0x4c: {  	_ =	shalt  }
0x4d: {  	_ =	shalt  }
0x4e: {  	_ =	shalt  }
0x4f: {  	_ =	shalt  }
0x50: {  	_ =	shalt  }
0x51: {  	_ =	shalt  }
0x52: {  	_ =	shalt  }
0x53: {  	_ =	shalt  }
0x54: {  	_ =	shalt  }
0x55: {  	_ =	shalt  }
0x56: {  	_ =	shalt  }
0x57: {  	_ =	shalt  }
0x58: {  	_ =	shalt  }
0x59: {  	_ =	shalt  }
0x5a: {  	_ =	shalt  }
0x5b: {  	_ =	shalt  }
0x5c: {  	_ =	shalt  }
0x5d: {  	_ =	shalt  }
0x5e: {  	_ =	shalt  }
0x5f: {  	_ =	shalt  }
0x60: {  	_ =	shalt  }
0x61: {  	_ =	shalt  }
0x62: {  	_ =	shalt  }
0x63: {  	_ =	shalt  }
0x64: {  	_ =	shalt  }
0x65: {  	_ =	shalt  }
0x66: {  	_ =	shalt  }
0x67: {  	_ =	shalt  }
0x68: {  	_ =	shalt  }
0x69: {  	_ =	shalt  }
0x6a: {  	_ =	shalt  }
0x6b: {  	_ =	shalt  }
0x6c: {  	_ =	shalt  }
0x6d: {  	_ =	shalt  }
0x6e: {  	_ =	shalt  }
0x6f: {  	_ =	shalt  }
0x70: {  	_ =	shalt  }
0x71: {  	_ =	shalt  }
0x72: {  	_ =	shalt  }
0x73: {  	_ =	shalt  }
0x74: {  	_ =	shalt  }
0x75: {  	_ =	shalt  }
0x76: {  	_ =	shalt  }
0x77: {  	_ =	shalt  }
0x78: {  	_ =	shalt  }
0x79: {  	_ =	shalt  }
0x7a: {  	_ =	shalt  }
0x7b: {  	_ =	shalt  }
0x7c: {  	_ =	shalt  }
0x7d: {  	_ =	shalt  }
0x7e: {  	_ =	shalt  }
0x7f: {  	_ =	shalt  }
0x80: {  	_ =	shalt  }
0x81: {  	_ =	shalt  }
0x82: {  	_ =	shalt  }
0x83: {  	_ =	shalt  }
0x84: {  	_ =	shalt  }
0x85: {  	_ =	shalt  }
0x86: {  	_ =	shalt  }
0x87: {  	_ =	shalt  }
.Lfunc_end0:
.L_simem_size_0:
called_computation_lowered:
.L_overlay_start_0:
0x88: {  	s0 =	sld [smem:$0x3FD9]  }
0x89: {  	s1 =	sld [smem:$0x3FFE];
	_ =	sdelay $0x3  }
0x8a: {  	s0 =	sadd.s32 s1, s0  }
0x8b: {  	[smem:$0x3FBE] =	sst s0  }
0x8c: {  	_ = 	snop  }
0x8d: {  	s0 =	sld [smem:$0x3FD0];
	(tm) =	ssettm $0x1  }
0x8e: {  	s16 =	sld [smem:$0x3FFB];
	_ =	sdelay $0x3  }
0x8f: {  	_ =	strace s16  }
0x90: {  	s1 =	sld [smem:$0x3FFC];
	_ =	sdelay $0x3  }
0x91: {  	_ =	strace s1  }
0x92: {  	s1 =	sld [smem:$0x3FFD];
	_ =	sdelay $0x3  }
0x93: {  	_ =	strace s1  }
0x94: {  	_ =	strace $0x8FFFFFFF  }
0x95: {  	s17 =	sld [smem:$0x3FDB];
	_ =	sdelay $0x1  }
0x96: {  	s2 =	simm.s32 $_scs_section_size  }
0x97: {  	s3 =	simm.s32 $_size__tile_overlayer_lowered;
	s4 =	simm.s32 $_tile_overlayer_lowered  }
0x98: {  	s20 =	simm.s32 $0x1BFF;
	s19 =	sshll.u32 s4, $0x1;
	s1 =	sadd.s32 s2, s17  }
0x99: {  	s5 =	simm.s32 $0x0;
	s18 =	sshll.u32 s3, $0x1;
	s3 =	sadd.s32 s19, s1  }
0x9a: {  	[timem:s5], [sflag:s20] =	dma.local [hbm:s3], s18  }
0x9b: {  	_ =	swait.ge [sflag:s20], s18  }
0x9c: {  	s2 =	ssub.s32 $0x0, s18;
	[sflag:s20] =	ssyncset.done $0x0  }
0x9d: {  	[sflag:s20] =	ssyncadd.s32 s2;
	_ =	sdelay $0x1  }
0x9e: {  	s21 =	simm.s32 $0x1B8B  }
0x9f: {  	_ =	swait.ge [sflag:s21], $0x1  }
0xa0: {  	[sflag:s21] =	ssyncset.done $0x0  }
0xa1: {  	s23 =	simm.s32 $0x1B8E;
	s22 =	sld [smem:$0x3FFE];
	[sflag:s21] =	ssyncadd.s32 $0xFFFFFFFF  }
0xa2: {  	s24 =	simm.s32 $execute0_lowered;
	[smem:$0x3FD2] =	sst s23  }
0xa3: {  	s3 =	sshll.u32 s24, $0x1;
	_ =	strace $0x8000004C;
	[dreg:$0x1] =	wrdreg $0xFFFFFFFF  }
0xa4: {  	s25 =	simm.s32 $_size_execute0_lowered;
	s1 =	sadd.s32 s1, s3;
	[dreg:$0x0] =	wrdreg $0x0  }
0xa5: {  	s3 =	sshll.u32 s25, $0x1;
	[dreg:$0x2] =	wrdreg s1  }
0xa6: {  	[dreg:$0x3] =	wrdreg s3  }
0xa7: {  	[dreg:$0x4] =	wrdreg $0xC0  }
0xa8: {  	_ =	task [dreg:s5], $0x5FFFF  }
0xa9: {  	[dreg:$0x1] =	wrdreg $0xFFFFFFFF  }
0xaa: {  	[dreg:$0x0] =	wrdreg $0x60  }
0xab: {  	[dreg:$0x2] =	wrdreg s22  }
0xac: {  	[dreg:$0x3] =	wrdreg s0  }
0xad: {  	[dreg:$0x4] =	wrdreg $0x9  }
0xae: {  	_ =	task.clear_ibuf [dreg:s5], $0x5FFFF;
	_ =	strace $0x9000004C  }
0xaf: {  	s26 =	simm.s32 $0x9;
	_ =	strace $0x8000004E  }
0xb0: {  	_ =	swait.ge [sflag:s26], $0x1  }
0xb1: {  	[sflag:s26] =	ssyncadd.s32 $0xFFFFFFFF  }
0xb2: {  	_ =	strace $0x9000004E  }
0xb3: {  	_ =	sfence  }
0xb4: {  	s28 =	sld [smem:$0x0];
	_ =	sdelay $0x1  }
0xb5: {  	s29 =	srdreg.scid  }
0xb6: {  	s30 =	sshll.u32 s29, $0xD;
	s31 =	sshrl.u32 s29, $0x2  }
0xb7: {  	s2 =	sand.u32 $0x4000, s30;
	s1 =	sand.u32 $0x1, s29;
	s0 =	sadd.s32 s31, s28  }
0xb8: {  	s1 =	sor.u32 s2, s1;
	s0 =	sshll.u32 s0, $0x11  }
0xb9: {  	s0 =	sor.u32 s0, s1  }
0xba: {  	s0 =	sadd.s32 $0x8F2B, s0  }
0xbb: {  	[sflag:s0] =	ssyncadd.remote.s32 $0x1  }
0xbc: {  	_ =	sfence.sel $0xFFFF  }
0xbd: {  	[dreg:$0x0] =	wrdreg $0xFFFFFFFF;
	(pc) =	sbr.abs _section_cstart, $3  }
0xbe: {  	[dreg:$0x1] =	wrdreg $0xFFFFFFFF  }
0xbf: {  	_ =	task.clear_ibuf [dreg:s5], $0x2FFFF;
	_ =	strace $0x9FFFFFFF  }
0xc0: {  	(tm) =	ssettm $0x7FFFFFFF  }
0xc1: {  	_ =	shalt  }
tec
execute0_lowered:
.L_overlay_start_1:
0x0: {  	(tag) =	ssettag $0x1  }
0x1: {  	s0 =	rddreg [dreg:$0x0]  }
0x2: {  	s3 =	rddreg [dreg:$0x1];
	_ =	strace $0x8000004D;
	s15 =	stileid.u32  }
0x3: {  	s2 =	simm.s32 $0x1;
	s1 =	smin.u32 s15, $0x8;
	s4 =	sshll.u32 s15, $0x1  }
0x4: {  	v1 =	vimm.s32 $0xFFFFFFFF;
	[sflag:s2] =	ssyncpa.u1 $0x0;
	s1 =	sadd.s32 s1, s4  }
0x5: {  	p0 =	slt.u32 s15, $0x8;
	[tilespmem:$0x10] =	vst v1;
	s5 =	smul.u32 $0x1F40, s1;
	s1 =	simm.s32 $0x5DC0  }
0x6: {  	v0 =	vimm.f32 $0.0e+00;
	[tilespmem:$0x20] =	vst v1;
	s1 =	simm.s32 @!p0 $0x3E80  }
0x7: {  	[tilespmem:$0x30] =	vst v0;
	s1 =	sadd.s32 s1, s5  }
0x8: {  	[tilespmem:$0x40] =	vst v0;
	s6 =	smin.u32 s1, $0x4E200  }
0x9: {  	s7 =	simm.s32 $0x2;
	[tilespmem:$0x50] =	vst v0;
	s9 =	ssub.s32 s6, s5  }
0xa: {  	s8 =	simm.s32 $0x8;
	s31 =	simm.s32 $0x9;
	[tilespmem:$0x60] =	vst v1;
	p0 =	sgt.s32 s9, $0x0  }
0xb: {  	s16 =	simm.s32 $0x0;
	s17 =	simm.s32 $0xF0;
	[tilespmem:$0x70] =	vst v1;
	s9 =	simm.s32 @!p0 $0x0  }
0xc: {  	s18 =	simm.s32 $0xFFFFFFFF;
	s19 =	simm.s32 $0xFFFFC280;
	[tilespmem:$0x80] =	vst v1;
	s30 =	smulhi.u32 $0x10624DD3, s9  }
0xd: {  	s20 =	simm.s32 $0xFFFFFFFE;
	s21 =	simm.s32 $0xF;
	s25 =	simm.s32 $0x0;
	v1 =	vimm.s32 $0x0;
	[tilespmem:$0xB0] =	vst v0  }
0xe: {  	s24 =	simm.s32 $0x0;
	s15 =	sshllo.u32 s15, $0x1;
	[tilespmem:$0x90] =	vst v1;
	s10 =	sshrl.u32 s30, $0x9  }
0xf: {  	[tilespmem:$0xA0] =	vst v1;
	[sflag:s7] =	ssyncpa.u1 $0x0;
	s7 =	simm.s32 $0x7;
	s11 =	smul.u32 $0x1F40, s10  }
.Ltmp0:
0x10: {  	s13 =	sor.u32 $0x80, s4;
	[sflag:s7] =	ssyncpa.u1 $0x0;
	(pc) =	sbr.rel .LBB2_1-.Ltmp0, $4  }
0x11: {  	s14 =	sor.u32 $0x81, s4;
	[sflag:s8] =	ssyncpa.u1 $0x0;
	p0 =	sne.s32 s9, s11  }
0x12: {  	s23 =	smov.u32 s5;
	s1 =	sadd.s32 $0x1DE00, s0;
	s2 =	simm.s32 @!p0 $0x0  }
0x13: {  	vm0 =	vmmov $0xffff;
	v2 =	vlaneseq.u32;
	[sflag:s31] =	ssyncpa.u1 $0x0;
	s9 =	sadd.s32 $0x400, s0;
	s10 =	sadd.s32 s2, s10  }
0x14: {  	vm1 =	vmxor vm1, vm1;
	vm2 =	vmmov $0x1;
	vm3 =	vcmask $0x3F3C;
	p0 =	por $0x0, $0x0;
	s11 =	sadd.s32 $0x1, s10;
	s12 =	sadd.s32 $0x2, s10  }
.LBB2_9:
0x15: {  	p1 =	slt.u32 s24, $0x3  }
0x16: {  	s0 =	simm.s32 @!p1 $0x2  }
0x17: {  	_ =	swait.ge @!p1 [sflag:s0], $0x1F40  }
0x18: {  	[sflag:s0] =	ssyncset.done @!p1 $0x0  }
0x19: {  	[sflag:s0] =	ssyncadd.s32 @!p1 $0xFFFFE0C0;
	s0 =	simm.s32 @!p1 $0x9  }
0x1a: {  	_ =	swait.ge @!p1 [sflag:s0], $0x10  }
0x1b: {  	[sflag:s0] =	ssyncset.done @!p1 $0x0  }
0x1c: {  	[sflag:s0] =	ssyncadd.s32 @!p1 $0xFFFFFFF0;
	p1 =	sne.s32 s24, s12  }
.Ltmp1:
0x1d: {  	s2 =	sadd.s32 $0x1F40, s23;
	(pc) =	sbr.rel @!p1 .LBB2_10-.Ltmp1, $4  }
0x1e: {  	s22 =	smov.u32 s5;
	s31 =	sadd.s32 $0x1, s24;
	s17 =	sadd.s32 $0x1F40, s17  }
0x1f: {  	s18 =	sadd.s32 $0x1, s18;
	s25 =	smov.u32 s23;
	p2 =	slt.s32 s2, s6  }
0x20: {  	p0 =	por !p0, !p0;
	s19 =	sadd.s32 $0x1F40, s19;
	s22 =	smov.u32 @p2 s2  }
0x21: {  	s20 =	sadd.s32 $0x1, s20;
	s23 =	smov.u32 s22;
	s24 =	smov.u32 s31  }
.LBB2_1:
0x22: {  	p1 =	sge.u32 s24, s10  }
0x23: {  	s0 =	smulhi.u32 @!p1 $0xAAAAAAAB, s24;
	_ =	sdelay $0x1  }
0x24: {  	s0 =	sshrl.u32 @!p1 s0, $0x1  }
0x25: {  	s0 =	smul.u32 @!p1 $0x3, s0;
	_ =	sdelay $0x1  }
0x26: {  	s0 =	ssub.s32 @!p1 s24, s0  }
0x27: {  	s0 =	smul.u32 @!p1 $0x7D00, s0;
	_ =	sdelay $0x1  }
0x28: {  	s2 =	sshrl.u32 @!p1 s23, $0x3;
	s0 =	sshrl.u32 @!p1 s0, $0x2  }
0x29: {  	s22 =	sand.u32 @!p1 $0x7, s23;
	s2 =	sadd.s32 @!p1 s3, s2;
	s0 =	sadd.s32 @!p1 $0x100, s0  }
0x2a: {  	[tilespmem:s0], [sflag:$0x7] =	stream.linear.gather @!p1 [hbm4b:s2+s22], $0x1F40, $0x38;
	[tilespmem:$0x11A60] =	vst v63  }
0x2b: {  	s0 =	sadd.s32 $0xFFFFFFFF, s24  }
0x2c: {  	p1 =	sge.u32 s0, s10  }
.Ltmp2:
0x2d: {  	_ = 	snop;
	(pc) =	sbr.rel @p1 .LBB2_5-.Ltmp2, $1  }
0x2e: {  	_ =	sdelay $0x3  }
0x2f: {  	s2 =	smulhi.u32 $0xAAAAAAAB, s0;
	_ =	sdelay $0x1  }
0x30: {  	s2 =	sshrl.u32 s2, $0x1  }
0x31: {  	s2 =	smul.u32 $0x3, s2;
	_ =	sdelay $0x1  }
0x32: {  	s2 =	ssub.s32 s0, s2  }
0x33: {  	s2 =	smul.u32 $0x7D00, s2  }
0x34: {  	_ =	swait.ge [sflag:s7], $0x1F40  }
0x35: {  	[sflag:s7] =	ssyncset.done $0x0;
	s2 =	sshrl.u32 s2, $0x2  }
0x36: {  	[sflag:s7] =	ssyncadd.s32 $0xFFFFE0C0;
	(ifvalue) =	ssetifvalue $0xFFFFFFFF;
	v3 =	vld.msk [tilespmem:s2+$0x100 ss:$0x1], $0xffff;
	_ =	sdelay $0x2  }
0x37: {  	s30 =	smulhi.u32 $0xAAAAAAAB, s18;
	p1 =	sne.s32 s24, $0x1  }
0x38: {  	v4 =	vimm.s32 @!p1 $0x0  }
0x39: {  	s2 =	sshrl.u32 s30, $0x1;
	v4 =	vperm.xlane @!p1 v3, v4  }
0x3a: {  	s22 =	sshll.u32 s24, $0x4;
	s2 =	smul.u32 $0xFFFE8900, s2;
	vm4 =	vlt.u32 v3, $0x2800  }
0x3b: {  	s22 =	sand.u32 $0x10, s22;
	v3 =	vnsel vm4, $0xFFFFFFFE, v3;
	vm4 =	vlt.u32 @!p1 v4, $0x2800  }
0x3c: {  	s2 =	sshra.s32 s2, $0x2;
	[tilespmem:s22+$0x60] =	vst v3;
	v3 =	vnsel @!p1 vm4, $0xFFFFFFFE, v4  }
0x3d: {  	s28 =	sadd.s32 s2, s17;
	[tilespmem:$0x80] =	vst @!p1 v3  }
0x3e: {  	v3 =	vld.msk [tilespmem:s28+$0x0 ss:$0x1], $0xffff;
	_ =	sdelay $0x4  }
0x3f: {  	(xrf1) =	vunique.msk.u32 $0xffff, v3;
	_ =	sdelay $0xd  }
0x40: {  	v4 =	vimm.s32 $0xFFFFFFFF;
	v5, _, _ =	vpop (xrf1)  }
0x41: {  	vm5 =	vne.s32 v3, v4;
	vm4 =	veq.s32 v5, v2  }
0x42: {  	vm6 =	vlt.u32 v3, $0x2800;
	vm4 =	vmand vm5, vm4  }
0x43: {  	vm4 =	vmand vm6, vm4  }
0x44: {  	v4 =	vnsel vm4, $0xFFFFFFFF, v3  }
0x45: {  	s31 =	sand.u32 $0x1, s0  }
0x46: {  	s0 =	simm.s32 $0x1F40;
	p1 =	seq.s32 s31, $0x1  }
0x47: {  	s0 =	simm.s32 @!p1 $0x0  }
0x48: {  	s26 =	sadd.s32 $0x7DF0, s0;
	(ifvalue) =	ssetifvalue $0xFFFFFFFF  }
0x49: {  	v3 =	vperm.xlane v3, v1;
	[tilespmem:s26], [sflag:$0x8] =	stream.indirect_vreg.gather [hbm4b:s1+s16], $0x1, v4, vm0, $0x4038;
	v4 =	vnsel vm6, $0xFFFFFFFE, v4;
	[tilespmem:$0x11A60] =	vst v63  }
0x4a: {  	s2 =	simm.s32 $0x0;
	s22 =	sadd.s32 $0xFFFFFFF0, s28;
	[tilespmem:s28+$0x0] =	vst v4  }
.LBB2_3:
0x4b: {  	v4 =	vld.msk [tilespmem:s22+$0x0 ss:$0x1], $0xffff;
	s2 =	sadd.s32 $0x10, s2;
	v5 =	vmov v3;
	s28 =	smov.u32 s22  }
0x4c: {  	p1 =	slt.u32 s2, $0x1F30;
	_ =	sdelay $0x4  }
0x4d: {  	v3 =	vperm.xlane v4, v1;
	(xrf1) =	vunique.msk.u32 $0xffff, v4;
	_ =	sdelay $0xd  }
0x4e: {  	v6, _, _ =	vpop (xrf1)  }
0x4f: {  	vm5 =	vne.s32 v4, v5;
	vm4 =	veq.s32 v6, v2  }
0x50: {  	vm6 =	vlt.u32 v4, $0x2800;
	vm4 =	vmand vm5, vm4  }
0x51: {  	vm4 =	vmand vm6, vm4  }
0x52: {  	v4 =	vnsel vm4, $0xFFFFFFFF, v4  }
.Ltmp3:
0x53: {  	v5 =	vnsel vm6, $0xFFFFFFFE, v4;
	(pc) =	sbr.rel @p1 .LBB2_3-.Ltmp3, $3  }
0x54: {  	_ =	sdelay $0x1  }
0x55: {  	s22 =	sadd.s32 $0xFFFFFFF0, s22;
	s26 =	sadd.s32 $0xFFFFFFF0, s26;
	(ifvalue) =	ssetifvalue $0xFFFFFFFF  }
0x56: {  	[tilespmem:s26], [sflag:$0x8] =	stream.indirect_vreg.gather [hbm4b:s1+s16], $0x1, v4, vm0, $0x4038;
	[tilespmem:s28+$0x0] =	vst v5  }
0x57: {  	s2 =	sshrl.u32 s25, $0x3  }
0x58: {  	s0 =	sadd.s32 $0x9D40, s0;
	s2 =	sadd.s32 s9, s2  }
0x59: {  	[tilespmem:s0], [sflag:$0x8] =	stream.linear.gather [hbm:s2], $0x1F40, $0x38;
	[tilespmem:$0x11A60] =	vst v63  }
.LBB2_5:
0x5a: {  	p1 =	slt.u32 s24, $0x2  }
0x5b: {  	p2 =	sge.u32 @!p1 s24, s12  }
0x5c: {  	p1 =	por p1, p2  }
.Ltmp4:
0x5d: {  	_ = 	snop;
	(pc) =	sbr.rel @p1 .LBB2_9-.Ltmp4, $1  }
0x5e: {  	_ =	sdelay $0x3  }
0x5f: {  	s0 =	sadd.s32 $0xFFFFFFFE, s24  }
0x60: {  	s2 =	smulhi.u32 $0xAAAAAAAB, s0;
	_ =	sdelay $0x1  }
0x61: {  	s2 =	sshrl.u32 s2, $0x1  }
0x62: {  	s2 =	smul.u32 $0x3, s2;
	_ =	sdelay $0x1  }
0x63: {  	s0 =	ssub.s32 s0, s2  }
0x64: {  	_ =	swait.ge [sflag:s8], $0x3E80;
	s0 =	smul.u32 $0x1F40, s0  }
0x65: {  	p1 =	sne.s32 s24, s11;
	[sflag:s8] =	ssyncset.done $0x0  }
0x66: {  	[sflag:s8] =	ssyncadd.s32 $0xFFFFC180;
	s2 =	sadd.s32 @!p1 $0x203F, s0  }
0x67: {  	[spmem:s14] =	stream.linear.scatter @!p1 [tilespmem:s2], [sflag:$0x1], $0x1, $0x38;
	[tilespmem:$0x11A60] =	vst v63  }
0x68: {  	s2 =	simm.s32 @!p1 $0x1  }
0x69: {  	_ =	swait.ge @!p1 [sflag:s2], $0x1  }
0x6a: {  	s22 =	sshll.u32 s24, $0x4;
	[sflag:s2] =	ssyncset.done @!p1 $0x0  }
0x6b: {  	s25 =	sand.u32 $0x10, s22;
	[sflag:s2] =	ssyncadd.s32 @!p1 $0xFFFFFFFF  }
0x6c: {  	s2 =	sxor.u32 $0x10, s25;
	v4 =	vld [tilespmem:s25+$0x10]  }
0x6d: {  	v5 =	vld [tilespmem:s2+$0x60]  }
0x6e: {  	v3 =	vld [tilespmem:$0x80];
	_ =	sdelay $0x2  }
0x6f: {  	(v2sf) =	vpush v4, $0x0  }
0x70: {  	(v2sf) =	vpush v5, $0x0  }
0x71: {  	(v2sf) =	vpush v3, $0x0;
	_ =	sdelay $0xc  }
0x72: {  	s22 =	spop (v2sf)  }
0x73: {  	s26 =	spop (v2sf)  }
0x74: {  	s28 =	spop (v2sf)  }
0x75: {  	p2 =	seq.s32 s22, s26;
	p3 =	seq.s32 s28, s22  }
0x76: {  	p3 =	por p2, p3  }
0x77: {  	s26 =	sand.u32 $0x1, s24;
	v4 =	vpsel p3, $0xFFFFFFFF, v4  }
0x78: {  	s29 =	smul.u32 $0x1F40, s26;
	[tilespmem:s25+$0x10] =	vst.msk $0x1, v4  }
0x79: {  	v4 =	vld [tilespmem:$0x30]  }
0x7a: {  	v5 =	vld [tilespmem:s29+$0x9D40]  }
0x7b: {  	v6 =	vld [tilespmem:s25+$0x40];
	_ =	sdelay $0x3  }
0x7c: {  	vm4 =	vmmov vm1;
	v5 =	vadd.f32 v5, v4  }
0x7d: {  	vm5 =	vmmov vm2;
	vm4 =	vmmov @p2 vm2;
	s22 =	sshll.u32 s26, $0x4;
	v4 =	vadd.f32 v6, v4  }
0x7e: {  	s26 =	sor.u32 $0x11A40, s22;
	vm5 =	vmmov @p3 vm1;
	[tilespmem:s29+$0x9D40] =	vst.msk vm4, v5  }
0x7f: {  	[tilespmem:s26+$0x0] =	vst.msk vm5, v4  }
0x80: {  	v4 =	vld [tilespmem:s29+$0x7DF0];
	_ =	sdelay $0x3  }
0x81: {  	v5 =	vimm.f32 $0.0e+00  }
0x82: {  	v4 =	vshift.insert v4, v5, s21  }
0x83: {  	s22 =	sor.u32 $0x40, s2  }
0x84: {  	[tilespmem:s22+$0x0] =	vst.msk $0x1, v4  }
0x85: {  	[tilespmem:s29+$0x7DFF] =	vst.msk $0x1, v5  }
0x86: {  	v4 =	vld [tilespmem:s0+$0x2030];
	_ =	sdelay $0x1  }
0x87: {  	s22 =	smulhi.u32 $0xAAAAAAAB, s20;
	s0 =	simm.s32 $0x1  }
0x88: {  	s0 =	simm.s32 @!p0 $0x0  }
0x89: {  	s22 =	sshrl.u32 s22, $0x1;
	s0 =	smul.u32 $0x7D00, s0  }
0x8a: {  	s22 =	smul.u32 $0xFFFE8900, s22;
	v4 =	vshift.insert v4, v1, s21  }
0x8b: {  	s0 =	sshrl.u32 s0, $0x2  }
0x8c: {  	s22 =	sshra.s32 s22, $0x2;
	s30 =	sadd.s32 $0x9D40, s0;
	[tilespmem:s2+$0x10] =	vst.msk $0x1, v4  }
0x8d: {  	s22 =	sadd.s32 s22, s19;
	v6 =	vld [tilespmem:s30+$0x0]  }
0x8e: {  	v7 =	vld [tilespmem:s22+$0x0];
	_ =	sdelay $0x3  }
0x8f: {  	v5 =	vadd.f32 v6, v5  }
0x90: {  	vm4 =	vne.s32 v7, $0xFFFFFFFF  }
0x91: {  	(xrf2) =	vadd.seg.scan.f32 vm4, v5;
	_ =	sdelay $0x3  }
0x92: {  	s31 =	sadd.s32 $0x5EC0, s0;
	v5 =	vperm.xlane v4, v1  }
0x93: {  	v6 =	vld [tilespmem:s31+$0x0]  }
0x94: {  	vm5 =	veq.s32 v7, v3;
	vm6 =	veq.s32 v7, v5  }
0x95: {  	vm7 =	vgt.u32 v7, $0xFFFFFFFD;
	vm6 =	vmor vm6, vm5  }
0x96: {  	vm6 =	vmor vm6, vm7  }
0x97: {  	v9 =	vld [tilespmem:$0xA0];
	v7 =	vsel vm6, $0xFFFFFFFF, v7  }
0x98: {  	v10 =	vld [tilespmem:$0x90];
	v6 =	vsel vm5, $0x0, v6;
	v8, _, _ =	vpop (xrf2)  }
0x99: {  	v6 =	vadd.f32 v8, v6  }
0x9a: {  	s0 =	sadd.s32 $0xDBC0, s0  }
0x9b: {  	vm4 =	vmand vm4, vm3;
	[tilespmem:s0+$0x0] =	vst v6;
	(ifvalue) =	ssetifvalue $0xFFFFFFFF  }
0x9c: {  	vm6 =	veq.s32 v9, $0x1;
	[hbm4b:s1+s16] =	stream.indirect_vreg.scatter [tilespmem:s0], [sflag:$0x2], $0x1, v7, vm0, $0x4038;
	v7 =	vsel vm4, $0x0, v8;
	[tilespmem:$0x11A60] =	vst v63  }
0x9d: {  	s2 =	simm.s32 $0x0;
	s22 =	sadd.s32 $0x10, s22;
	vm4 =	vmor vm6, vm5;
	v6 =	vsel vm5, v8, v10;
	v7 =	vshift.insert v7, v0, s21  }
.LBB2_7:
0x9e: {  	v8 =	vld [tilespmem:s22+$0x0];
	s30 =	sadd.s32 $0x10, s30  }
0x9f: {  	s31 =	sadd.s32 $0x10, s31;
	v9 =	vld [tilespmem:s30+$0x0]  }
0xa0: {  	s2 =	sadd.s32 $0x10, s2;
	v10 =	vld [tilespmem:s31+$0x0]  }
0xa1: {  	p2 =	slt.u32 s2, $0x1F30;
	_ =	sdelay $0x2  }
0xa2: {  	v7 =	vadd.f32 v9, v7  }
0xa3: {  	vm5 =	vne.s32 v8, $0xFFFFFFFF  }
0xa4: {  	vm6 =	vmand vm5, vm3;
	(xrf2) =	vadd.seg.scan.f32 vm5, v7;
	_ =	sdelay $0x5  }
0xa5: {  	vm7 =	veq.s32 v8, v5;
	vm5 =	veq.s32 v8, v3  }
0xa6: {  	vm8 =	vgt.u32 v8, $0xFFFFFFFD;
	vm4 =	vmor vm4, vm5;
	vm7 =	vmor vm7, vm5  }
0xa7: {  	vm7 =	vmor vm7, vm8  }
0xa8: {  	v8 =	vsel vm7, $0xFFFFFFFF, v8  }
.Ltmp5:
0xa9: {  	v7 =	vsel vm5, $0x0, v10;
	v9, _, _ =	vpop (xrf2);
	(pc) =	sbr.rel @p2 .LBB2_7-.Ltmp5, $4  }
0xaa: {  	v6 =	vsel vm5, v9, v6;
	v10 =	vadd.f32 v9, v7;
	v7 =	vsel vm6, $0x0, v9  }
0xab: {  	s0 =	sadd.s32 $0x10, s0;
	v7 =	vshift.insert v7, v0, s21  }
0xac: {  	s22 =	sadd.s32 $0x10, s22;
	[tilespmem:s0+$0x0] =	vst v10;
	(ifvalue) =	ssetifvalue $0xFFFFFFFF  }
0xad: {  	[hbm4b:s1+s16] =	stream.indirect_vreg.scatter [tilespmem:s0], [sflag:$0x2], $0x1, v8, vm0, $0x4038;
	[tilespmem:$0x11A60] =	vst v63  }
0xae: {  	v3 =	vld [tilespmem:s29+$0xFAF0];
	_ =	sdelay $0x4  }
0xaf: {  	v3 =	vshift.insert v3, v0, s21  }
0xb0: {  	s0 =	simm.s32 $0x30  }
0xb1: {  	[tilespmem:s0+$0x0] =	vst.msk $0x1, v3  }
0xb2: {  	v3 =	vsel vm4, $0x1, v1;
	[tilespmem:$0x90] =	vst v6  }
0xb3: {  	s0 =	sadd.s32 @!p1 $0xFAFF, s29;
	[tilespmem:$0xA0] =	vst v3  }
0xb4: {  	[spmem:s15] =	stream.linear.scatter @!p1 [tilespmem:s0], [sflag:$0x1], $0x1, $0x38;
	[tilespmem:$0x11A60] =	vst v63  }
0xb5: {  	s0 =	simm.s32 @!p1 $0x1  }
0xb6: {  	v3 =	vmctz.xlane @!p1 vm4;
	_ =	swait.ge @!p1 [sflag:s0], $0x1  }
0xb7: {  	(v2sf) =	vpush @!p1 v4, $0x0  }
0xb8: {  	(v2sf) =	vpush @!p1 v3, $0x0;
	_ =	sdelay $0xd  }
0xb9: {  	s2 =	spop @!p1 (v2sf)  }
0xba: {  	s22 =	spop @!p1 (v2sf)  }
0xbb: {  	p2 =	sne.s32 @!p1 s28, s2;
	p3 =	slt.s32 @!p1 s22, $0xF  }
0xbc: {  	[sflag:s0] =	ssyncset.done @!p1 $0x0;
	p2 =	por p2, p1;
	p3 =	por !p3, p1  }
0xbd: {  	[sflag:s0] =	ssyncadd.s32 @!p1 $0xFFFFFFFF;
	v3 =	vimm.s32 @!p2 $0xFFFFFFFF;
	s22 =	simm.s32 @p3 $0xF  }
0xbe: {  	[tilespmem:$0x80] =	vst @!p2 v3;
	s2 =	sadd.s32 @!p1 $0x90, s22  }
0xbf: {  	[spmem:s4] =	stream.linear.scatter @!p1 [tilespmem:s2], [sflag:$0x1], $0x1, $0x38;
	[tilespmem:$0x11A60] =	vst v63  }
0xc0: {  	_ =	swait.ge @!p1 [sflag:s0], $0x1  }
0xc1: {  	[sflag:s0] =	ssyncset.done @!p1 $0x0  }
0xc2: {  	s2 =	simm.s32 @!p1 $0x80;
	[sflag:s0] =	ssyncadd.s32 @!p1 $0xFFFFFFFF  }
0xc3: {  	[spmem:s13] =	stream.linear.scatter @!p1 [tilespmem:s2], [sflag:$0x1], $0x1, $0x38;
	[tilespmem:$0x11A60] =	vst v63  }
0xc4: {  	_ =	swait.ge @!p1 [sflag:s0], $0x1  }
0xc5: {  	[sflag:s0] =	ssyncset.done @!p1 $0x0  }
0xc6: {  	[sflag:s0] =	ssyncadd.s32 @!p1 $0xFFFFFFFF;
	(ifvalue) =	ssetifvalue $0xFFFFFFFF;
	v3 =	vld [tilespmem:s25+$0x10];
	_ =	sdelay $0x3  }
.Ltmp6:
0xc7: {  	_ = 	snop;
	(pc) =	sbr.rel .LBB2_9-.Ltmp6, $3  }
0xc8: {  	_ =	sdelay $0x1  }
0xc9: {  	(ifvalue) =	ssetifvalue $0xFFFFFFFF  }
0xca: {  	[hbm4b:s1+s16] =	stream.indirect_vreg.scatter [tilespmem:s26], [sflag:$0x9], $0x1, v3, vm0, $0x4038;
	[tilespmem:$0x11A60] =	vst v63  }
.LBB2_10:
0xcb: {  	_ =	sfence.sel $0x180000  }
0xcc: {  	s0 =	simm.s32 $0x7;
	[bflag:$0x0] =	sbarrier.arrive $0xFFFF  }
0xcd: {  	s26 =	simm.s32 $0x8;
	[sflag:s0] =	ssyncpa.u1 $0x1  }
0xce: {  	s28 =	simm.s32 $0x9;
	[sflag:s26] =	ssyncpa.u1 $0x1  }
0xcf: {  	[sflag:s28] =	ssyncpa.u1 $0x1  }
0xd0: {  	_ =	sfence.stream.spmem  }
0xd1: {  	s29 =	simm.s32 $0x3;
	[bflag:$0x0] =	sbarrier.arrive $0xFFFF  }
0xd2: {  	s30 =	simm.s32 $0x4;
	[sflag:s29] =	ssyncpa.u1 $0x1  }
0xd3: {  	s31 =	simm.s32 $0x3C;
	s2 =	stileid.u32;
	[sflag:s30] =	ssyncpa.u1 $0x1  }
0xd4: {  	p0 =	sne.s32 s2, $0x0;
	[sflag:s31] =	ssyncpa.u1 $0x1  }
0xd5: {  	s0 =	simm.s32 @p0 $0x1;
	_ =	sfence @p0  }
0xd6: {  	[sflag:s0] =	ssyncpa.u1 @p0 $0x1;
	s0 =	simm.s32 @p0 $0x2  }
0xd7: {  	[sflag:s0] =	ssyncpa.u1 @p0 $0x1  }
0xd8: {  	_ =	strace @p0 $0x9000004D  }
0xd9: {  	[bflag:$0x2] =	sbarrier.arrive @p0 $0xFFFF  }
0xda: {  	_ =	shalt @p0  }
.LBB2_11:
0xdb: {  	_ =	sfence.stream.spmem;
	s0 =	simm.s32 $0x5  }
0xdc: {  	s2 =	simm.s32 $0x80;
	s3 =	simm.s32 $0xC0;
	[sflag:s0] =	ssyncpa.u1 $0x0  }
0xdd: {  	[tilespmem:s3], [sflag:$0x5] =	stream.linear.gather [spmem:s2], $0x20, $0x38;
	[tilespmem:$0x11A60] =	vst v63  }
0xde: {  	s2 =	simm.s32 $0x0;
	s3 =	simm.s32 $0xE0  }
0xdf: {  	[tilespmem:s3], [sflag:$0x5] =	stream.linear.gather [spmem:s2], $0x20, $0x38;
	[tilespmem:$0x11A60] =	vst v63  }
.Ltmp7:
0xe0: {  	_ = 	snop;
	(pc) =	sbr.rel .LBB2_12-.Ltmp7, $4  }
0xe1: {  	_ =	swait.ge [sflag:s0], $0x40  }
0xe2: {  	[sflag:s0] =	ssyncset.done $0x0  }
0xe3: {  	s31 =	simm.s32 $0x6;
	[sflag:s0] =	ssyncadd.s32 $0xFFFFFFC0  }
0xe4: {  	s4 =	simm.s32 $0x0;
	[sflag:s31] =	ssyncpa.u1 $0x0  }
.LBB2_17:
0xe5: {  	p0 =	sgt.u32 s5, $0x27FF  }
0xe6: {  	s0 =	sshrl.u32 @!p0 s5, $0x3  }
0xe7: {  	s5 =	sand.u32 @!p0 $0x7, s5;
	s6 =	simm.s32 @!p0 $0xB0;
	s0 =	sadd.s32 @!p0 s1, s0  }
0xe8: {  	[tilespmem:s6], [sflag:$0x6] =	stream.linear.gather @!p0 [hbm4b:s0+s5], $0x1, $0x38;
	[tilespmem:$0x11A60] =	vst v63  }
0xe9: {  	s0 =	simm.s32 @!p0 $0x6  }
0xea: {  	_ =	swait.ge @!p0 [sflag:s0], $0x1  }
0xeb: {  	[sflag:s0] =	ssyncset.done @!p0 $0x0  }
0xec: {  	[sflag:s0] =	ssyncadd.s32 @!p0 $0xFFFFFFFF  }
0xed: {  	v2 =	vmov @!p0 s4;
	v1 =	vld.msk @!p0 [tilespmem:$0xB0], $0x1;
	_ =	sdelay $0x3  }
0xee: {  	s0 =	simm.s32 @!p0 $0xE0  }
0xef: {  	[tilespmem:v2+s0+$0x0], v1 =	vst.idx.ret.add.f32.msk @!p0 $0x1, v1  }
0xf0: {  	[tilespmem:s2+$0xC0] =	vst.msk $0x1, v0  }
0xf1: {  	v0 =	vld.msk [tilespmem:s4+$0xE0], $0x1;
	_ =	sdelay $0x4  }
0xf2: {  	[tilespmem:s2+$0xE0] =	vst.msk $0x1, v0;
	s2 =	sadd.s32 $0x1, s2  }
.LBB2_19:
0xf3: {  	s4 =	sadd.s32 $0x1, s4  }
0xf4: {  	p0 =	sne.s32 s4, $0x20  }
.Ltmp8:
0xf5: {  	_ = 	snop;
	(pc) =	sbr.rel @!p0 .LBB2_20-.Ltmp8, $1  }
0xf6: {  	_ =	sdelay $0x3  }
.LBB2_12:
0xf7: {  	v0 =	vld.msk [tilespmem:s4+$0xC0], $0x1;
	_ =	sdelay $0x4  }
0xf8: {  	(v2sf) =	vpush v0, $0x0;
	_ =	sdelay $0xe  }
0xf9: {  	s5 =	spop (v2sf)  }
0xfa: {  	p0 =	seq.s32 s5, $0xFFFFFFFF  }
.Ltmp9:
0xfb: {  	_ = 	snop;
	(pc) =	sbr.rel @p0 .LBB2_19-.Ltmp9, $1  }
0xfc: {  	_ =	sdelay $0x3  }
0xfd: {  	p0 =	slt.s32 s2, $0x1  }
.Ltmp10:
0xfe: {  	_ = 	snop;
	(pc) =	sbr.rel @p0 .LBB2_17-.Ltmp10, $1  }
0xff: {  	_ =	sdelay $0x3  }
0x100: {  	s0 =	simm.s32 $0xC0;
	p0 =	por $0x0, $0x0  }
0x101: {  	v1 =	vld.msk @!p0 [tilespmem:s0+$0x0], $0x1;
	_ =	sdelay $0x4  }
0x102: {  	(v2sf) =	vpush @!p0 v1, $0x0;
	_ =	sdelay $0xd  }
0x103: {  	p2 =	sne.s32 s2, $0x1  }
.Ltmp11:
0x104: {  	s6 =	spop @!p0 (v2sf);
	(pc) =	sbr.rel @!p2 .LBB2_16-.Ltmp11, $4  }
0x105: {  	p1 =	seq.s32 @!p0 s5, s6  }
0x106: {  	s6 =	simm.s32 $0x0;
	p1 =	por !p1, p0  }
0x107: {  	s8 =	simm.s32 $0xFFFFFFFF;
	s6 =	simm.s32 @p1 $0xFFFFFFFF  }
0x108: {  	s7 =	simm.s32 $0x1;
	s6 =	smov.u32 @p0 s8  }
.LBB2_15:
0x109: {  	s8 =	smov.u32 s6;
	p0 =	sne.s32 s6, $0xFFFFFFFF  }
0x10a: {  	s0 =	sadd.s32 $0x1, s0;
	s6 =	smov.u32 s7;
	s7 =	sadd.s32 $0x1, s7  }
0x10b: {  	p1 =	sne.s32 s2, s7;
	v1 =	vld.msk @!p0 [tilespmem:s0+$0x0], $0x1;
	_ =	sdelay $0x4  }
0x10c: {  	(v2sf) =	vpush @!p0 v1, $0x0;
	_ =	sdelay $0xe  }
.Ltmp12:
0x10d: {  	s9 =	spop @!p0 (v2sf);
	(pc) =	sbr.rel @p1 .LBB2_15-.Ltmp12, $4  }
0x10e: {  	p2 =	seq.s32 @!p0 s5, s9  }
0x10f: {  	p2 =	por !p2, p0  }
0x110: {  	s6 =	simm.s32 @p2 $0xFFFFFFFF  }
0x111: {  	s6 =	smov.u32 @p0 s8  }
.LBB2_16:
0x112: {  	p0 =	sne.s32 s6, $0xFFFFFFFF  }
.Ltmp13:
0x113: {  	_ = 	snop;
	(pc) =	sbr.rel @!p0 .LBB2_17-.Ltmp13, $1  }
0x114: {  	_ =	sdelay $0x3  }
0x115: {  	v0 =	vld.msk [tilespmem:s4+$0xE0], $0x1;
	v1 =	vmov s6  }
.Ltmp14:
0x116: {  	_ = 	snop;
	(pc) =	sbr.rel .LBB2_19-.Ltmp14, $2  }
0x117: {  	_ =	sdelay $0x2  }
0x118: {  	[tilespmem:v1+s3+$0x0], v0 =	vst.idx.ret.add.f32.msk $0x1, v0  }
.LBB2_20:
0x119: {  	p0 =	slt.s32 s2, $0x1  }
.Ltmp15:
0x11a: {  	_ = 	snop;
	(pc) =	sbr.rel @p0 .LBB2_24-.Ltmp15, $3  }
0x11b: {  	_ =	sdelay $0x1  }
0x11c: {  	s0 =	simm.s32 $0x6  }
0x11d: {  	s3 =	simm.s32 $0x0;
	[sflag:s0] =	ssyncpa.u1 $0x1  }
0x11e: {  	s0 =	simm.s32 $0xC0  }
0x11f: {  	v0 =	vld.msk [tilespmem:s0+$0x0], $0x1;
	_ =	sdelay $0x4  }
0x120: {  	(v2sf) =	vpush v0, $0x0;
	_ =	sdelay $0xe  }
0x121: {  	s2 =	sadd.s32 $0xFFFFFFFF, s2;
	s4 =	spop (v2sf)  }
0x122: {  	p1 =	sne.s32 s2, $0x0;
	p0 =	sgt.u32 s4, $0x27FF  }
.Ltmp16:
0x123: {  	s5 =	sshrl.u32 @!p0 s4, $0x3;
	(pc) =	sbr.rel @!p1 .LBB2_23-.Ltmp16, $4  }
0x124: {  	s0 =	simm.s32 $0xE0;
	s4 =	sand.u32 @!p0 $0x7, s4;
	s5 =	sadd.s32 @!p0 s1, s5  }
0x125: {  	[hbm4b:s5+s4] =	stream.linear.scatter @!p0 [tilespmem:s0], [sflag:$0x5], $0x1, $0x38;
	[tilespmem:$0x11A60] =	vst v63  }
0x126: {  	s5 =	simm.s32 $0x0  }
0x127: {  	s4 =	simm.s32 $0xC1;
	s5 =	simm.s32 @!p0 $0x4  }
.LBB2_22:
0x128: {  	v0 =	vld.msk [tilespmem:s4+$0x0], $0x1;
	s2 =	sadd.s32 $0xFFFFFFFF, s2;
	s3 =	sadd.s32 s3, s5  }
0x129: {  	p0 =	sne.s32 s2, $0x0;
	_ =	sdelay $0x3  }
0x12a: {  	(v2sf) =	vpush v0, $0x0;
	_ =	sdelay $0xe  }
.Ltmp17:
0x12b: {  	s6 =	spop (v2sf);
	(pc) =	sbr.rel @p0 .LBB2_22-.Ltmp17, $4  }
0x12c: {  	s5 =	simm.s32 $0x0;
	p1 =	sgt.u32 s6, $0x27FF  }
0x12d: {  	s0 =	sadd.s32 $0x1, s0;
	s5 =	simm.s32 @!p1 $0x4;
	s7 =	sshrl.u32 @!p1 s6, $0x3  }
0x12e: {  	s4 =	sadd.s32 $0x1, s4;
	s6 =	sand.u32 @!p1 $0x7, s6;
	s7 =	sadd.s32 @!p1 s1, s7  }
0x12f: {  	[hbm4b:s7+s6] =	stream.linear.scatter @!p1 [tilespmem:s0], [sflag:$0x5], $0x1, $0x38;
	[tilespmem:$0x11A60] =	vst v63  }
.LBB2_23:
0x130: {  	s0 =	sadd.s32 s3, s5  }
0x131: {  	s3 =	sshrl.u32 s0, $0x2  }
.LBB2_24:
0x132: {  	s0 =	simm.s32 $0x5  }
0x133: {  	_ =	swait.ge [sflag:s0], s3  }
0x134: {  	s1 =	ssub.s32 $0x0, s3;
	[sflag:s0] =	ssyncset.done $0x0  }
0x135: {  	[sflag:s0] =	ssyncadd.s32 s1  }
0x136: {  	[sflag:s0] =	ssyncpa.u1 $0x1  }
0x137: {  	s29 =	simm.s32 $0x1;
	_ =	sfence  }
0x138: {  	s30 =	simm.s32 $0x2;
	[sflag:s29] =	ssyncpa.u1 $0x1  }
0x139: {  	[sflag:s30] =	ssyncpa.u1 $0x1  }
0x13a: {  	_ =	strace $0x9000004D  }
0x13b: {  	[bflag:$0x2] =	sbarrier.arrive $0xFFFF  }
0x13c: {  	s31 =	rddreg [dreg:$0x2]  }
0x13d: {  	s0 =	sadd.s32 $0x100000, s31  }
0x13e: {  	[sflag:s0] =	ssyncadd.tile.s32 $0x1;
	_ =	shalt  }
.Lfunc_end2:
_tile_overlayer_lowered:
.L_overlay_start_2:
0x13f: {  	(tag) =	ssettag $0x2  }
0x140: {  	s0 =	rddreg [dreg:$0x0];
	s2 =	stileid.u32  }
0x141: {  	s1 =	rddreg [dreg:$0x1];
	p0 =	sne.s32 s2, $0x0  }
0x142: {  	s3 =	rddreg [dreg:$0x2];
	[bflag:$0x3] =	sbarrier.arrive $0xFFFF;
	s2 =	simm.s32 @!p0 $0x1C01  }
0x143: {  	[timem:s3], [sflag:s2] =	dma.local @!p0 [hbm:s0], s1  }
0x144: {  	s0 =	simm.s32 @!p0 $0x1  }
0x145: {  	_ =	swait.ge @!p0 [sflag:s0], s1  }
0x146: {  	s1 =	ssub.s32 @!p0 $0x0, s1;
	[sflag:s0] =	ssyncset.done @!p0 $0x0  }
0x147: {  	[sflag:s0] =	ssyncadd.s32 @!p0 s1  }
0x148: {  	[bflag:$0x3] =	sbarrier.arrive $0xFFFF  }
0x149: {  	_ =	shalt  }

</sc_bundles>
